<compile_context>
chip_gen: v7x
topology: tpu7x:2x2x1
jax: 0.10.2.dev20260603
libtpu: 0.0.44.dev20260713+nightly
codegen_flags: <defaults>
</compile_context>

<pallas_src>
import functools

import jax
import jax.numpy as jnp
from jax import lax
from jax.experimental import pallas as pl
from jax.experimental.pallas import tpu as pltpu
from jax.experimental.pallas import tpu_sc as plsc

N = 4 * 256 * 256 * 16
NC, NS, L = 2, 16, 16
NW = NC * NS
PER_W = N // NW

MBITS = 6
EXP_LO = 119
NOCT = 11
NK = NOCT << MBITS
KBASE = EXP_LO << MBITS
TOTAL = NK * 2 * 2 * L
ROWS = TOTAL // 128
HROWS = ROWS // 2

BLK = 4096
RR = 4
CH = RR * BLK
NCHUNK = PER_W // CH
UNROLL = 8


def _sc_hist(pred_hbm, tgt_hbm, out_hbm, hcnt, herr, pb0, pb1, tb0, tb1,
             sp0, sp1, st0, st1):
    wid = lax.axis_index("s") * NC + lax.axis_index("c")
    blk0 = wid * (PER_W // BLK)
    lanes = lax.iota(jnp.int32, L)
    ones = jnp.full((L,), 1.0, jnp.float32)
    zeros = jnp.zeros((L,), jnp.float32)

    pbufs, tbufs = (pb0, pb1), (tb0, tb1)
    psems, tsems = (sp0, sp1), (st0, st1)

    def issue(c, b):
        blk = blk0 + c * RR
        bi = blk >> 8
        ri = blk & 255
        pltpu.async_copy(pred_hbm.at[bi, pl.ds(ri, RR)], pbufs[b], psems[b])
        pltpu.async_copy(tgt_hbm.at[bi, pl.ds(ri, RR)], tbufs[b], tsems[b])

    issue(0, 0)
    issue(1, 1)

    @plsc.parallel_loop(0, HROWS * (128 // L), unroll=8)
    def _(j):
        hcnt[j >> 3, pl.ds((j & 7) * L, L)] = zeros
        herr[j >> 3, pl.ds((j & 7) * L, L)] = zeros

    def process(buf_idx, c):
        pbuf, tbuf = pbufs[buf_idx], tbufs[buf_idx]
        pltpu.make_async_copy(
            pred_hbm.at[0, pl.ds(0, RR)], pbuf, psems[buf_idx]).wait()
        pltpu.make_async_copy(
            tgt_hbm.at[0, pl.ds(0, RR)], tbuf, tsems[buf_idx]).wait()

        @plsc.parallel_loop(0, CH // L, unroll=UNROLL)
        def _(j):
            i = j >> 8
            m = (j >> 4) & 15
            q = (j & 15) * L
            p = pbuf[i, m, pl.ds(q, L)]
            t = tbuf[i, m, pl.ds(q, L)]
            e = jnp.abs(t.astype(jnp.float32) - p)
            kb = lax.shift_right_logical(
                lax.bitcast_convert_type(e, jnp.int32), 23 - MBITS)
            kinv = jnp.minimum(jnp.maximum((NK - 1 + KBASE) - kb, 0), NK - 1)
            flat = lanes + (kinv + NK * t) * L
            row = lax.shift_right_logical(flat, 7)
            col = flat & 127
            plsc.addupdate_scatter(hcnt, [row, col], ones)
            plsc.addupdate_scatter(herr, [row, col], e)

    def ring_body(g, carry):
        c0 = g * 2
        process(0, c0)

        @pl.when(c0 + 2 < NCHUNK)
        def _():
            issue(c0 + 2, 0)

        process(1, c0 + 1)

        @pl.when(c0 + 3 < NCHUNK)
        def _():
            issue(c0 + 3, 1)

        return carry

    lax.fori_loop(0, NCHUNK // 2, ring_body, 0)

    pltpu.sync_copy(hcnt, out_hbm.at[wid, pl.ds(0, HROWS)])
    pltpu.sync_copy(herr, out_hbm.at[wid, pl.ds(HROWS, HROWS)])


@functools.partial(
    pl.kernel,
    out_type=jax.ShapeDtypeStruct((NW, ROWS, 128), jnp.float32),
    mesh=plsc.VectorSubcoreMesh(core_axis_name="c", subcore_axis_name="s"),
    compiler_params=pltpu.CompilerParams(needs_layout_passes=False),
    scratch_types=[
        pltpu.VMEM((HROWS, 128), jnp.float32),
        pltpu.VMEM((HROWS, 128), jnp.float32),
        pltpu.VMEM((RR, 16, 256), jnp.float32),
        pltpu.VMEM((RR, 16, 256), jnp.float32),
        pltpu.VMEM((RR, 16, 256), jnp.int32),
        pltpu.VMEM((RR, 16, 256), jnp.int32),
        pltpu.SemaphoreType.DMA,
        pltpu.SemaphoreType.DMA,
        pltpu.SemaphoreType.DMA,
        pltpu.SemaphoreType.DMA,
    ],
)
def _sc_stage(pred_hbm, tgt_hbm, out_hbm, hcnt, herr, pb0, pb1, tb0, tb1,
              sp0, sp1, st0, st1):
    _sc_hist(pred_hbm, tgt_hbm, out_hbm, hcnt, herr, pb0, pb1, tb0, tb1,
             sp0, sp1, st0, st1)


KR = NK // 8


def _tc_finish(hist_ref, out_ref):
    x = hist_ref[...]
    s = jnp.sum(x, axis=0)

    j128 = lax.broadcasted_iota(jnp.int32, (128, 8), 0)
    c8 = lax.broadcasted_iota(jnp.int32, (128, 8), 1)
    b8 = (lax.shift_right_logical(j128, 4) == c8).astype(jnp.float32)
    y = lax.dot_general(s, b8, (((1,), (0,)), ((), ())),
                        precision=lax.Precision.HIGHEST,
                        preferred_element_type=jnp.float32)

    c0 = y[0 * KR:1 * KR]
    c1 = y[1 * KR:2 * KR]
    e0 = y[2 * KR:3 * KR]
    e1 = y[3 * KR:4 * KR]
    cnt = c0 + c1
    pos = c1
    esum = e0 + e1

    r8a = lax.broadcasted_iota(jnp.int32, (8, 8), 0)
    r8b = lax.broadcasted_iota(jnp.int32, (8, 8), 1)
    ustrict = (r8a < r8b).astype(jnp.float32)
    rka = lax.broadcasted_iota(jnp.int32, (KR, KR), 0)
    rkb = lax.broadcasted_iota(jnp.int32, (KR, KR), 1)
    lstrict = (rka > rkb).astype(jnp.float32)
    ones8 = jnp.ones((8, 1), jnp.float32)

    def exprefix(m):
        inrow = lax.dot_general(m, ustrict, (((1,), (0,)), ((), ())),
                                precision=lax.Precision.HIGHEST,
                                preferred_element_type=jnp.float32)
        rowsum = lax.dot_general(m, ones8, (((1,), (0,)), ((), ())),
                                 precision=lax.Precision.HIGHEST,
                                 preferred_element_type=jnp.float32)
        rowoff = lax.dot_general(lstrict, rowsum, (((1,), (0,)), ((), ())),
                                 precision=lax.Precision.HIGHEST,
                                 preferred_element_type=jnp.float32)
        return inrow + rowoff

    acnt = exprefix(cnt)
    bpos = exprefix(pos)
    g = jnp.sum(pos)

    rem = g - bpos
    u1 = g + acnt - bpos
    u2 = u1 + (cnt - pos)
    num = rem * (cnt - pos) + pos * u1
    dj = num / jnp.maximum(u1 * u2, 1.0)
    term = esum * dj / jnp.maximum(cnt, 1.0)
    out_ref[0, 0] = jnp.sum(term)


def kernel(pred, target):
    pred_t = jnp.transpose(pred, (0, 1, 3, 2))
    tgt_t = jnp.transpose(target, (0, 1, 3, 2))
    hist = _sc_stage(pred_t, tgt_t)
    out = pl.pallas_call(
        _tc_finish,
        out_shape=jax.ShapeDtypeStruct((1, 1), jnp.float32),
        out_specs=pl.BlockSpec(memory_space=pltpu.SMEM),
    )(hist)
    return out.reshape(())

# --- scband reference (transcript-rebuilt; emitter-appended) ---
"""Pipeline reference for scband-lovasz-binary-loss-2362232013486 (READ-ONLY COPY).

The authoritative reference and input builder live on the scoring server;
editing this copy changes nothing except your own understanding.
"""

import jax, jax.numpy as jnp
import numpy as np


def setup_inputs(seed: int = 0) -> dict:
    key = jax.random.key(seed)
    k1, k2 = jax.random.split(key)
    pred = jax.random.normal(k1, (4, 256, 256, 16), dtype=jnp.float32)
    target = jax.random.randint(k2, (4, 256, 256, 16), 0, 2, dtype=jnp.int32)
    return {"pred": pred, "target": target}


def reference(pred, target):
    pred_flat = pred.reshape(-1)
    target_flat = target.reshape(-1).astype(jnp.float32)
    errors = jnp.abs(target_flat - pred_flat)
    # descending sort via argsort of negated errors (gather keeps it differentiable)
    perm = jnp.argsort(-errors)
    errors_sorted = errors[perm]
    target_sorted = target_flat[perm]
    # Lovasz gradient (Alg. 1, Berman et al. CVPR 2018)
    gts = target_sorted.sum()
    intersection = gts - jnp.cumsum(target_sorted, axis=0)
    union = gts + jnp.cumsum(1.0 - target_sorted, axis=0)
    jaccard = 1.0 - intersection / union
    jaccard = jnp.concatenate([jaccard[:1], jaccard[1:] - jaccard[:-1]], axis=0)
    return jnp.dot(errors_sorted, jaccard)

if __name__ == "__main__":
    import jax
    _d = setup_inputs()
    print(jax.jit(kernel)(*tuple(_d.values())))

</pallas_src>

<mosaic_0001>
#map = affine_map<(d0, d1) -> (0, 0, 0, 0)>
#map1 = affine_map<(d0, d1) -> (0, 0, 0)>
module attributes {stable_mosaic.version = 14 : i64} {
  func.func @_sc_stage(%arg0: i32, %arg1: i32, %arg2: memref<4x256x16x256xf32, #tpu.memory_space<hbm>>, %arg3: memref<4x256x16x256xi32, #tpu.memory_space<hbm>>, %arg4: memref<32x352x128xf32, #tpu.memory_space<hbm>>, %arg5: memref<176x128xf32, #tpu.memory_space<vmem>>, %arg6: memref<176x128xf32, #tpu.memory_space<vmem>>, %arg7: memref<4x16x256xf32, #tpu.memory_space<vmem>>, %arg8: memref<4x16x256xf32, #tpu.memory_space<vmem>>, %arg9: memref<4x16x256xi32, #tpu.memory_space<vmem>>, %arg10: memref<4x16x256xi32, #tpu.memory_space<vmem>>, %arg11: memref<!tpu.dma_semaphore, #tpu.memory_space<semaphore_mem>>, %arg12: memref<!tpu.dma_semaphore, #tpu.memory_space<semaphore_mem>>, %arg13: memref<!tpu.dma_semaphore, #tpu.memory_space<semaphore_mem>>, %arg14: memref<!tpu.dma_semaphore, #tpu.memory_space<semaphore_mem>>) attributes {dimension_semantics = [#tpu.dimension_semantics<core_parallel>, #tpu.dimension_semantics<subcore_parallel>], iteration_bounds = array<i64: 2, 16>, scalar_prefetch = 0 : i64, scratch_operands = 10 : i64, tpu.core_type = #tpu.core_type<sc_vector_subcore>, window_params = [{transform_indices = #map}, {transform_indices = #map}, {transform_indices = #map1}]} {
    %mul3A = arith.constant 2 : i32
    %mul3A_0 = arith.muli %arg1, %mul3A : i32
    %add3A = arith.addi %mul3A_0, %arg0 : i32
    %mul3A_1 = arith.constant 32 : i32
    %mul3A_2 = arith.muli %add3A, %mul3A_1 : i32
    %iota3A = tpu.iota {dimensions = array<i32: 0>} : vector<16xi32>
    %broadcast_in_dim3A = arith.constant 1.000000e+00 : f32
    %broadcast_in_dim3A_3 = vector.broadcast %broadcast_in_dim3A : f32 to vector<16xf32>
    %broadcast_in_dim3A_4 = arith.constant 0.000000e+00 : f32
    %broadcast_in_dim3A_5 = vector.broadcast %broadcast_in_dim3A_4 : f32 to vector<16xf32>
    %add3A_6 = arith.constant 0 : i32
    %add3A_7 = arith.addi %mul3A_2, %add3A_6 : i32
    %shift_right_arithmetic3A = arith.constant 8 : i32
    %shift_right_arithmetic3A_8 = arith.shrsi %add3A_7, %shift_right_arithmetic3A : i32
    %and3A = arith.constant 255 : i32
    %and3A_9 = arith.andi %add3A_7, %and3A : i32
    %dma_start3A = arith.constant 0 : i32
    %dma_start3A_10 = arith.constant 0 : i32
    %dma_start3A_11 = tpu.memref_slice %arg2[%shift_right_arithmetic3A_8, %and3A_9, %dma_start3A, %dma_start3A_10] : memref<4x256x16x256xf32, #tpu.memory_space<hbm>> -> memref<1x4x16x256xf32, #tpu.memory_space<hbm>>
    %dma_start3A_12 = tpu.memref_squeeze %dma_start3A_11 : memref<1x4x16x256xf32, #tpu.memory_space<hbm>> -> memref<4x16x256xf32, #tpu.memory_space<hbm>>
    %dma_start3A_13 = arith.constant 0 : i32
    %dma_start3A_14 = arith.constant 0 : i32
    %dma_start3A_15 = tpu.memref_slice %arg2[%shift_right_arithmetic3A_8, %and3A_9, %dma_start3A_13, %dma_start3A_14] : memref<4x256x16x256xf32, #tpu.memory_space<hbm>> -> memref<1x4x16x256xf32, #tpu.memory_space<hbm>>
    %dma_start3A_16 = tpu.memref_squeeze %dma_start3A_15 : memref<1x4x16x256xf32, #tpu.memory_space<hbm>> -> memref<4x16x256xf32, #tpu.memory_space<hbm>>
    tpu.enqueue_dma source(%dma_start3A_16 : memref<4x16x256xf32, #tpu.memory_space<hbm>>) target(%arg7 : memref<4x16x256xf32, #tpu.memory_space<vmem>>) target_semaphore(%arg11 : memref<!tpu.dma_semaphore, #tpu.memory_space<semaphore_mem>>)
    %dma_start3A_17 = arith.constant 0 : i32
    %dma_start3A_18 = arith.constant 0 : i32
    %dma_start3A_19 = tpu.memref_slice %arg3[%shift_right_arithmetic3A_8, %and3A_9, %dma_start3A_17, %dma_start3A_18] : memref<4x256x16x256xi32, #tpu.memory_space<hbm>> -> memref<1x4x16x256xi32, #tpu.memory_space<hbm>>
    %dma_start3A_20 = tpu.memref_squeeze %dma_start3A_19 : memref<1x4x16x256xi32, #tpu.memory_space<hbm>> -> memref<4x16x256xi32, #tpu.memory_space<hbm>>
    %dma_start3A_21 = arith.constant 0 : i32
    %dma_start3A_22 = arith.constant 0 : i32
    %dma_start3A_23 = tpu.memref_slice %arg3[%shift_right_arithmetic3A_8, %and3A_9, %dma_start3A_21, %dma_start3A_22] : memref<4x256x16x256xi32, #tpu.memory_space<hbm>> -> memref<1x4x16x256xi32, #tpu.memory_space<hbm>>
    %dma_start3A_24 = tpu.memref_squeeze %dma_start3A_23 : memref<1x4x16x256xi32, #tpu.memory_space<hbm>> -> memref<4x16x256xi32, #tpu.memory_space<hbm>>
    tpu.enqueue_dma source(%dma_start3A_24 : memref<4x16x256xi32, #tpu.memory_space<hbm>>) target(%arg9 : memref<4x16x256xi32, #tpu.memory_space<vmem>>) target_semaphore(%arg13 : memref<!tpu.dma_semaphore, #tpu.memory_space<semaphore_mem>>)
    %add3A_25 = arith.constant 4 : i32
    %add3A_26 = arith.addi %mul3A_2, %add3A_25 : i32
    %shift_right_arithmetic3A_27 = arith.constant 8 : i32
    %shift_right_arithmetic3A_28 = arith.shrsi %add3A_26, %shift_right_arithmetic3A_27 : i32
    %and3A_29 = arith.constant 255 : i32
    %and3A_30 = arith.andi %add3A_26, %and3A_29 : i32
    %dma_start3A_31 = arith.constant 0 : i32
    %dma_start3A_32 = arith.constant 0 : i32
    %dma_start3A_33 = tpu.memref_slice %arg2[%shift_right_arithmetic3A_28, %and3A_30, %dma_start3A_31, %dma_start3A_32] : memref<4x256x16x256xf32, #tpu.memory_space<hbm>> -> memref<1x4x16x256xf32, #tpu.memory_space<hbm>>
    %dma_start3A_34 = tpu.memref_squeeze %dma_start3A_33 : memref<1x4x16x256xf32, #tpu.memory_space<hbm>> -> memref<4x16x256xf32, #tpu.memory_space<hbm>>
    %dma_start3A_35 = arith.constant 0 : i32
    %dma_start3A_36 = arith.constant 0 : i32
    %dma_start3A_37 = tpu.memref_slice %arg2[%shift_right_arithmetic3A_28, %and3A_30, %dma_start3A_35, %dma_start3A_36] : memref<4x256x16x256xf32, #tpu.memory_space<hbm>> -> memref<1x4x16x256xf32, #tpu.memory_space<hbm>>
    %dma_start3A_38 = tpu.memref_squeeze %dma_start3A_37 : memref<1x4x16x256xf32, #tpu.memory_space<hbm>> -> memref<4x16x256xf32, #tpu.memory_space<hbm>>
    tpu.enqueue_dma source(%dma_start3A_38 : memref<4x16x256xf32, #tpu.memory_space<hbm>>) target(%arg8 : memref<4x16x256xf32, #tpu.memory_space<vmem>>) target_semaphore(%arg12 : memref<!tpu.dma_semaphore, #tpu.memory_space<semaphore_mem>>)
    %dma_start3A_39 = arith.constant 0 : i32
    %dma_start3A_40 = arith.constant 0 : i32
    %dma_start3A_41 = tpu.memref_slice %arg3[%shift_right_arithmetic3A_28, %and3A_30, %dma_start3A_39, %dma_start3A_40] : memref<4x256x16x256xi32, #tpu.memory_space<hbm>> -> memref<1x4x16x256xi32, #tpu.memory_space<hbm>>
    %dma_start3A_42 = tpu.memref_squeeze %dma_start3A_41 : memref<1x4x16x256xi32, #tpu.memory_space<hbm>> -> memref<4x16x256xi32, #tpu.memory_space<hbm>>
    %dma_start3A_43 = arith.constant 0 : i32
    %dma_start3A_44 = arith.constant 0 : i32
    %dma_start3A_45 = tpu.memref_slice %arg3[%shift_right_arithmetic3A_28, %and3A_30, %dma_start3A_43, %dma_start3A_44] : memref<4x256x16x256xi32, #tpu.memory_space<hbm>> -> memref<1x4x16x256xi32, #tpu.memory_space<hbm>>
    %dma_start3A_46 = tpu.memref_squeeze %dma_start3A_45 : memref<1x4x16x256xi32, #tpu.memory_space<hbm>> -> memref<4x16x256xi32, #tpu.memory_space<hbm>>
    tpu.enqueue_dma source(%dma_start3A_46 : memref<4x16x256xi32, #tpu.memory_space<hbm>>) target(%arg10 : memref<4x16x256xi32, #tpu.memory_space<vmem>>) target_semaphore(%arg14 : memref<!tpu.dma_semaphore, #tpu.memory_space<semaphore_mem>>)
    %parallel_loop3A = arith.constant 0 : i32
    %parallel_loop3A_47 = arith.constant 1408 : i32
    %parallel_loop3A_48 = arith.constant 1 : i32
    scf.for %parallel_loop3A_54 = %parallel_loop3A to %parallel_loop3A_47 step %parallel_loop3A_48  : i32 {
      %parallel_loop3A_55 = arith.constant 3 : i32
      %parallel_loop3A_56 = arith.shrsi %parallel_loop3A_54, %parallel_loop3A_55 : i32
      %parallel_loop3A_57 = arith.constant 7 : i32
      %parallel_loop3A_58 = arith.andi %parallel_loop3A_54, %parallel_loop3A_57 : i32
      %parallel_loop3A_59 = arith.constant 16 : i32
      %parallel_loop3A_60 = arith.muli %parallel_loop3A_58, %parallel_loop3A_59 : i32
      %parallel_loop3A_61 = arith.index_cast %parallel_loop3A_56 : i32 to index
      %parallel_loop3A_62 = arith.index_cast %parallel_loop3A_60 : i32 to index
      %parallel_loop3A_63 = tpu.vector_load %arg5[%parallel_loop3A_61, %parallel_loop3A_62] {strides = array<i32>} : memref<176x128xf32, #tpu.memory_space<vmem>>, vector<16xf32>,
      tpu.vector_store %arg5[%parallel_loop3A_61, %parallel_loop3A_62], %broadcast_in_dim3A_5 {strides = array<i32>} : memref<176x128xf32, #tpu.memory_space<vmem>>, vector<16xf32>,
      %parallel_loop3A_64 = arith.constant 3 : i32
      %parallel_loop3A_65 = arith.shrsi %parallel_loop3A_54, %parallel_loop3A_64 : i32
      %parallel_loop3A_66 = arith.constant 7 : i32
      %parallel_loop3A_67 = arith.andi %parallel_loop3A_54, %parallel_loop3A_66 : i32
      %parallel_loop3A_68 = arith.constant 16 : i32
      %parallel_loop3A_69 = arith.muli %parallel_loop3A_67, %parallel_loop3A_68 : i32
      %parallel_loop3A_70 = arith.index_cast %parallel_loop3A_65 : i32 to index
      %parallel_loop3A_71 = arith.index_cast %parallel_loop3A_69 : i32 to index
      %parallel_loop3A_72 = tpu.vector_load %arg6[%parallel_loop3A_70, %parallel_loop3A_71] {strides = array<i32>} : memref<176x128xf32, #tpu.memory_space<vmem>>, vector<16xf32>,
      tpu.vector_store %arg6[%parallel_loop3A_70, %parallel_loop3A_71], %broadcast_in_dim3A_5 {strides = array<i32>} : memref<176x128xf32, #tpu.memory_space<vmem>>, vector<16xf32>,
    } {sc.loop_unroll_factor = 8 : i64, sc.parallel_access}
    %scan3A = arith.constant 0 : i32
    %scan3A_49 = arith.constant 0 : i32
    %scan3A_50 = arith.constant 4 : i32
    %scan3A_51 = arith.addi %scan3A_49, %scan3A_50 : i32
    %scan3A_52 = arith.constant 1 : i32
    scf.for %scan3A_54 = %scan3A_49 to %scan3A_51 step %scan3A_52  : i32 {
      %mul3A_55 = arith.constant 2 : i32
      %mul3A_56 = arith.muli %scan3A_54, %mul3A_55 : i32
      %dma_wait3A = arith.constant 0 : i32
      %dma_wait3A_57 = arith.constant 0 : i32
      %dma_wait3A_58 = arith.constant 0 : i32
      %dma_wait3A_59 = arith.constant 0 : i32
      %dma_wait3A_60 = tpu.memref_slice %arg2[%dma_wait3A, %dma_wait3A_57, %dma_wait3A_58, %dma_wait3A_59] : memref<4x256x16x256xf32, #tpu.memory_space<hbm>> -> memref<1x4x16x256xf32, #tpu.memory_space<hbm>>
      %dma_wait3A_61 = tpu.memref_squeeze %dma_wait3A_60 : memref<1x4x16x256xf32, #tpu.memory_space<hbm>> -> memref<4x16x256xf32, #tpu.memory_space<hbm>>
      %dma_wait3A_62 = arith.constant 0 : i32
      %dma_wait3A_63 = arith.constant 0 : i32
      %dma_wait3A_64 = arith.constant 0 : i32
      %dma_wait3A_65 = tpu.memref_slice %arg2[%dma_wait3A, %dma_wait3A_62, %dma_wait3A_63, %dma_wait3A_64] : memref<4x256x16x256xf32, #tpu.memory_space<hbm>> -> memref<1x4x16x256xf32, #tpu.memory_space<hbm>>
      %dma_wait3A_66 = tpu.memref_squeeze %dma_wait3A_65 : memref<1x4x16x256xf32, #tpu.memory_space<hbm>> -> memref<4x16x256xf32, #tpu.memory_space<hbm>>
      tpu.wait_dma2 semaphore(%arg11 : memref<!tpu.dma_semaphore, #tpu.memory_space<semaphore_mem>>) src(%dma_wait3A_66 : memref<4x16x256xf32, #tpu.memory_space<hbm>>) dst(%arg7 : memref<4x16x256xf32, #tpu.memory_space<vmem>>)
      %dma_wait3A_67 = arith.constant 0 : i32
      %dma_wait3A_68 = arith.constant 0 : i32
      %dma_wait3A_69 = arith.constant 0 : i32
      %dma_wait3A_70 = arith.constant 0 : i32
      %dma_wait3A_71 = tpu.memref_slice %arg3[%dma_wait3A_67, %dma_wait3A_68, %dma_wait3A_69, %dma_wait3A_70] : memref<4x256x16x256xi32, #tpu.memory_space<hbm>> -> memref<1x4x16x256xi32, #tpu.memory_space<hbm>>
      %dma_wait3A_72 = tpu.memref_squeeze %dma_wait3A_71 : memref<1x4x16x256xi32, #tpu.memory_space<hbm>> -> memref<4x16x256xi32, #tpu.memory_space<hbm>>
      %dma_wait3A_73 = arith.constant 0 : i32
      %dma_wait3A_74 = arith.constant 0 : i32
      %dma_wait3A_75 = arith.constant 0 : i32
      %dma_wait3A_76 = tpu.memref_slice %arg3[%dma_wait3A_67, %dma_wait3A_73, %dma_wait3A_74, %dma_wait3A_75] : memref<4x256x16x256xi32, #tpu.memory_space<hbm>> -> memref<1x4x16x256xi32, #tpu.memory_space<hbm>>
      %dma_wait3A_77 = tpu.memref_squeeze %dma_wait3A_76 : memref<1x4x16x256xi32, #tpu.memory_space<hbm>> -> memref<4x16x256xi32, #tpu.memory_space<hbm>>
      tpu.wait_dma2 semaphore(%arg13 : memref<!tpu.dma_semaphore, #tpu.memory_space<semaphore_mem>>) src(%dma_wait3A_77 : memref<4x16x256xi32, #tpu.memory_space<hbm>>) dst(%arg9 : memref<4x16x256xi32, #tpu.memory_space<vmem>>)
      %parallel_loop3A_78 = arith.constant 0 : i32
      %parallel_loop3A_79 = arith.constant 1024 : i32
      %parallel_loop3A_80 = arith.constant 1 : i32
      scf.for %parallel_loop3A_119 = %parallel_loop3A_78 to %parallel_loop3A_79 step %parallel_loop3A_80  : i32 {
        %parallel_loop3A_120 = arith.constant 8 : i32
        %parallel_loop3A_121 = arith.shrsi %parallel_loop3A_119, %parallel_loop3A_120 : i32
        %parallel_loop3A_122 = arith.constant 4 : i32
        %parallel_loop3A_123 = arith.shrsi %parallel_loop3A_119, %parallel_loop3A_122 : i32
        %parallel_loop3A_124 = arith.constant 15 : i32
        %parallel_loop3A_125 = arith.andi %parallel_loop3A_123, %parallel_loop3A_124 : i32
        %parallel_loop3A_126 = arith.constant 15 : i32
        %parallel_loop3A_127 = arith.andi %parallel_loop3A_119, %parallel_loop3A_126 : i32
        %parallel_loop3A_128 = arith.constant 16 : i32
        %parallel_loop3A_129 = arith.muli %parallel_loop3A_127, %parallel_loop3A_128 : i32
        %parallel_loop3A_130 = arith.index_cast %parallel_loop3A_121 : i32 to index
        %parallel_loop3A_131 = arith.index_cast %parallel_loop3A_125 : i32 to index
        %parallel_loop3A_132 = arith.index_cast %parallel_loop3A_129 : i32 to index
        %parallel_loop3A_133 = tpu.vector_load %arg7[%parallel_loop3A_130, %parallel_loop3A_131, %parallel_loop3A_132] {strides = array<i32>} : memref<4x16x256xf32, #tpu.memory_space<vmem>>, vector<16xf32>,
        %parallel_loop3A_134 = arith.index_cast %parallel_loop3A_121 : i32 to index
        %parallel_loop3A_135 = arith.index_cast %parallel_loop3A_125 : i32 to index
        %parallel_loop3A_136 = arith.index_cast %parallel_loop3A_129 : i32 to index
        %parallel_loop3A_137 = tpu.vector_load %arg9[%parallel_loop3A_134, %parallel_loop3A_135, %parallel_loop3A_136] {strides = array<i32>} : memref<4x16x256xi32, #tpu.memory_space<vmem>>, vector<16xi32>,
        %parallel_loop3A_138 = arith.sitofp %parallel_loop3A_137 : vector<16xi32> to vector<16xf32>
        %parallel_loop3A_139 = arith.subf %parallel_loop3A_138, %parallel_loop3A_133 : vector<16xf32>
        %parallel_loop3A_140 = math.absf %parallel_loop3A_139 : vector<16xf32>
        %parallel_loop3A_141 = tpu.bitcast %parallel_loop3A_140 : vector<16xf32> -> vector<16xi32>
        %parallel_loop3A_142 = arith.constant 17 : i32
        %parallel_loop3A_143 = vector.broadcast %parallel_loop3A_142 : i32 to vector<16xi32>
        %parallel_loop3A_144 = arith.shrui %parallel_loop3A_141, %parallel_loop3A_143 : vector<16xi32>
        %parallel_loop3A_145 = arith.constant 8319 : i32
        %parallel_loop3A_146 = vector.broadcast %parallel_loop3A_145 : i32 to vector<16xi32>
        %parallel_loop3A_147 = arith.subi %parallel_loop3A_146, %parallel_loop3A_144 : vector<16xi32>
        %parallel_loop3A_148 = arith.constant 0 : i32
        %parallel_loop3A_149 = vector.broadcast %parallel_loop3A_148 : i32 to vector<16xi32>
        %parallel_loop3A_150 = arith.maxsi %parallel_loop3A_147, %parallel_loop3A_149 : vector<16xi32>
        %parallel_loop3A_151 = arith.constant 703 : i32
        %parallel_loop3A_152 = vector.broadcast %parallel_loop3A_151 : i32 to vector<16xi32>
        %parallel_loop3A_153 = arith.minsi %parallel_loop3A_150, %parallel_loop3A_152 : vector<16xi32>
        %parallel_loop3A_154 = arith.constant 704 : i32
        %parallel_loop3A_155 = vector.broadcast %parallel_loop3A_154 : i32 to vector<16xi32>
        %parallel_loop3A_156 = arith.muli %parallel_loop3A_155, %parallel_loop3A_137 : vector<16xi32>
        %parallel_loop3A_157 = arith.addi %parallel_loop3A_153, %parallel_loop3A_156 : vector<16xi32>
        %parallel_loop3A_158 = arith.constant 16 : i32
        %parallel_loop3A_159 = vector.broadcast %parallel_loop3A_158 : i32 to vector<16xi32>
        %parallel_loop3A_160 = arith.muli %parallel_loop3A_157, %parallel_loop3A_159 : vector<16xi32>
        %parallel_loop3A_161 = arith.addi %iota3A, %parallel_loop3A_160 : vector<16xi32>
        %parallel_loop3A_162 = arith.constant 7 : i32
        %parallel_loop3A_163 = vector.broadcast %parallel_loop3A_162 : i32 to vector<16xi32>
        %parallel_loop3A_164 = arith.shrui %parallel_loop3A_161, %parallel_loop3A_163 : vector<16xi32>
        %parallel_loop3A_165 = arith.constant 127 : i32
        %parallel_loop3A_166 = vector.broadcast %parallel_loop3A_165 : i32 to vector<16xi32>
        %parallel_loop3A_167 = arith.andi %parallel_loop3A_161, %parallel_loop3A_166 : vector<16xi32>
        tpu.vector_store_idx %arg5[%parallel_loop3A_164, %parallel_loop3A_167], %broadcast_in_dim3A_3 {add = true} : memref<176x128xf32, #tpu.memory_space<vmem>>[vector<16xi32>, vector<16xi32>], vector<16xf32>,
        tpu.vector_store_idx %arg6[%parallel_loop3A_164, %parallel_loop3A_167], %parallel_loop3A_140 {add = true} : memref<176x128xf32, #tpu.memory_space<vmem>>[vector<16xi32>, vector<16xi32>], vector<16xf32>,
      } {sc.loop_unroll_factor = 8 : i64, sc.parallel_access}
      %add3A_81 = arith.constant 2 : i32
      %add3A_82 = arith.addi %mul3A_56, %add3A_81 : i32
      %lt3A = arith.constant 8 : i32
      %lt3A_83 = arith.cmpi slt, %add3A_82, %lt3A : i32
      %convert_element_type3A = arith.extui %lt3A_83 : i1 to i32
      %cond3A = arith.constant 0 : i32
      %cond3A_84 = arith.cmpi ne, %convert_element_type3A, %cond3A : i32
      scf.if %cond3A_84 {
        %add3A_119 = arith.constant 2 : i32
        %add3A_120 = arith.addi %mul3A_56, %add3A_119 : i32
        %mul3A_121 = arith.constant 4 : i32
        %mul3A_122 = arith.muli %add3A_120, %mul3A_121 : i32
        %add3A_123 = arith.addi %mul3A_2, %mul3A_122 : i32
        %shift_right_arithmetic3A_124 = arith.constant 8 : i32
        %shift_right_arithmetic3A_125 = arith.shrsi %add3A_123, %shift_right_arithmetic3A_124 : i32
        %and3A_126 = arith.constant 255 : i32
        %and3A_127 = arith.andi %add3A_123, %and3A_126 : i32
        %dma_start3A_128 = arith.constant 0 : i32
        %dma_start3A_129 = arith.constant 0 : i32
        %dma_start3A_130 = tpu.memref_slice %arg2[%shift_right_arithmetic3A_125, %and3A_127, %dma_start3A_128, %dma_start3A_129] : memref<4x256x16x256xf32, #tpu.memory_space<hbm>> -> memref<1x4x16x256xf32, #tpu.memory_space<hbm>>
        %dma_start3A_131 = tpu.memref_squeeze %dma_start3A_130 : memref<1x4x16x256xf32, #tpu.memory_space<hbm>> -> memref<4x16x256xf32, #tpu.memory_space<hbm>>
        %dma_start3A_132 = arith.constant 0 : i32
        %dma_start3A_133 = arith.constant 0 : i32
        %dma_start3A_134 = tpu.memref_slice %arg2[%shift_right_arithmetic3A_125, %and3A_127, %dma_start3A_132, %dma_start3A_133] : memref<4x256x16x256xf32, #tpu.memory_space<hbm>> -> memref<1x4x16x256xf32, #tpu.memory_space<hbm>>
        %dma_start3A_135 = tpu.memref_squeeze %dma_start3A_134 : memref<1x4x16x256xf32, #tpu.memory_space<hbm>> -> memref<4x16x256xf32, #tpu.memory_space<hbm>>
        tpu.enqueue_dma source(%dma_start3A_135 : memref<4x16x256xf32, #tpu.memory_space<hbm>>) target(%arg7 : memref<4x16x256xf32, #tpu.memory_space<vmem>>) target_semaphore(%arg11 : memref<!tpu.dma_semaphore, #tpu.memory_space<semaphore_mem>>)
        %dma_start3A_136 = arith.constant 0 : i32
        %dma_start3A_137 = arith.constant 0 : i32
        %dma_start3A_138 = tpu.memref_slice %arg3[%shift_right_arithmetic3A_125, %and3A_127, %dma_start3A_136, %dma_start3A_137] : memref<4x256x16x256xi32, #tpu.memory_space<hbm>> -> memref<1x4x16x256xi32, #tpu.memory_space<hbm>>
        %dma_start3A_139 = tpu.memref_squeeze %dma_start3A_138 : memref<1x4x16x256xi32, #tpu.memory_space<hbm>> -> memref<4x16x256xi32, #tpu.memory_space<hbm>>
        %dma_start3A_140 = arith.constant 0 : i32
        %dma_start3A_141 = arith.constant 0 : i32
        %dma_start3A_142 = tpu.memref_slice %arg3[%shift_right_arithmetic3A_125, %and3A_127, %dma_start3A_140, %dma_start3A_141] : memref<4x256x16x256xi32, #tpu.memory_space<hbm>> -> memref<1x4x16x256xi32, #tpu.memory_space<hbm>>
        %dma_start3A_143 = tpu.memref_squeeze %dma_start3A_142 : memref<1x4x16x256xi32, #tpu.memory_space<hbm>> -> memref<4x16x256xi32, #tpu.memory_space<hbm>>
        tpu.enqueue_dma source(%dma_start3A_143 : memref<4x16x256xi32, #tpu.memory_space<hbm>>) target(%arg9 : memref<4x16x256xi32, #tpu.memory_space<vmem>>) target_semaphore(%arg13 : memref<!tpu.dma_semaphore, #tpu.memory_space<semaphore_mem>>)
      } else {
      }
      %add3A_85 = arith.constant 1 : i32
      %add3A_86 = arith.addi %mul3A_56, %add3A_85 : i32
      %dma_wait3A_87 = arith.constant 0 : i32
      %dma_wait3A_88 = arith.constant 0 : i32
      %dma_wait3A_89 = arith.constant 0 : i32
      %dma_wait3A_90 = arith.constant 0 : i32
      %dma_wait3A_91 = tpu.memref_slice %arg2[%dma_wait3A_87, %dma_wait3A_88, %dma_wait3A_89, %dma_wait3A_90] : memref<4x256x16x256xf32, #tpu.memory_space<hbm>> -> memref<1x4x16x256xf32, #tpu.memory_space<hbm>>
      %dma_wait3A_92 = tpu.memref_squeeze %dma_wait3A_91 : memref<1x4x16x256xf32, #tpu.memory_space<hbm>> -> memref<4x16x256xf32, #tpu.memory_space<hbm>>
      %dma_wait3A_93 = arith.constant 0 : i32
      %dma_wait3A_94 = arith.constant 0 : i32
      %dma_wait3A_95 = arith.constant 0 : i32
      %dma_wait3A_96 = tpu.memref_slice %arg2[%dma_wait3A_87, %dma_wait3A_93, %dma_wait3A_94, %dma_wait3A_95] : memref<4x256x16x256xf32, #tpu.memory_space<hbm>> -> memref<1x4x16x256xf32, #tpu.memory_space<hbm>>
      %dma_wait3A_97 = tpu.memref_squeeze %dma_wait3A_96 : memref<1x4x16x256xf32, #tpu.memory_space<hbm>> -> memref<4x16x256xf32, #tpu.memory_space<hbm>>
      tpu.wait_dma2 semaphore(%arg12 : memref<!tpu.dma_semaphore, #tpu.memory_space<semaphore_mem>>) src(%dma_wait3A_97 : memref<4x16x256xf32, #tpu.memory_space<hbm>>) dst(%arg8 : memref<4x16x256xf32, #tpu.memory_space<vmem>>)
      %dma_wait3A_98 = arith.constant 0 : i32
      %dma_wait3A_99 = arith.constant 0 : i32
      %dma_wait3A_100 = arith.constant 0 : i32
      %dma_wait3A_101 = arith.constant 0 : i32
      %dma_wait3A_102 = tpu.memref_slice %arg3[%dma_wait3A_98, %dma_wait3A_99, %dma_wait3A_100, %dma_wait3A_101] : memref<4x256x16x256xi32, #tpu.memory_space<hbm>> -> memref<1x4x16x256xi32, #tpu.memory_space<hbm>>
      %dma_wait3A_103 = tpu.memref_squeeze %dma_wait3A_102 : memref<1x4x16x256xi32, #tpu.memory_space<hbm>> -> memref<4x16x256xi32, #tpu.memory_space<hbm>>
      %dma_wait3A_104 = arith.constant 0 : i32
      %dma_wait3A_105 = arith.constant 0 : i32
      %dma_wait3A_106 = arith.constant 0 : i32
      %dma_wait3A_107 = tpu.memref_slice %arg3[%dma_wait3A_98, %dma_wait3A_104, %dma_wait3A_105, %dma_wait3A_106] : memref<4x256x16x256xi32, #tpu.memory_space<hbm>> -> memref<1x4x16x256xi32, #tpu.memory_space<hbm>>
      %dma_wait3A_108 = tpu.memref_squeeze %dma_wait3A_107 : memref<1x4x16x256xi32, #tpu.memory_space<hbm>> -> memref<4x16x256xi32, #tpu.memory_space<hbm>>
      tpu.wait_dma2 semaphore(%arg14 : memref<!tpu.dma_semaphore, #tpu.memory_space<semaphore_mem>>) src(%dma_wait3A_108 : memref<4x16x256xi32, #tpu.memory_space<hbm>>) dst(%arg10 : memref<4x16x256xi32, #tpu.memory_space<vmem>>)
      %parallel_loop3A_109 = arith.constant 0 : i32
      %parallel_loop3A_110 = arith.constant 1024 : i32
      %parallel_loop3A_111 = arith.constant 1 : i32
      scf.for %parallel_loop3A_119 = %parallel_loop3A_109 to %parallel_loop3A_110 step %parallel_loop3A_111  : i32 {
        %parallel_loop3A_120 = arith.constant 8 : i32
        %parallel_loop3A_121 = arith.shrsi %parallel_loop3A_119, %parallel_loop3A_120 : i32
        %parallel_loop3A_122 = arith.constant 4 : i32
        %parallel_loop3A_123 = arith.shrsi %parallel_loop3A_119, %parallel_loop3A_122 : i32
        %parallel_loop3A_124 = arith.constant 15 : i32
        %parallel_loop3A_125 = arith.andi %parallel_loop3A_123, %parallel_loop3A_124 : i32
        %parallel_loop3A_126 = arith.constant 15 : i32
        %parallel_loop3A_127 = arith.andi %parallel_loop3A_119, %parallel_loop3A_126 : i32
        %parallel_loop3A_128 = arith.constant 16 : i32
        %parallel_loop3A_129 = arith.muli %parallel_loop3A_127, %parallel_loop3A_128 : i32
        %parallel_loop3A_130 = arith.index_cast %parallel_loop3A_121 : i32 to index
        %parallel_loop3A_131 = arith.index_cast %parallel_loop3A_125 : i32 to index
        %parallel_loop3A_132 = arith.index_cast %parallel_loop3A_129 : i32 to index
        %parallel_loop3A_133 = tpu.vector_load %arg8[%parallel_loop3A_130, %parallel_loop3A_131, %parallel_loop3A_132] {strides = array<i32>} : memref<4x16x256xf32, #tpu.memory_space<vmem>>, vector<16xf32>,
        %parallel_loop3A_134 = arith.index_cast %parallel_loop3A_121 : i32 to index
        %parallel_loop3A_135 = arith.index_cast %parallel_loop3A_125 : i32 to index
        %parallel_loop3A_136 = arith.index_cast %parallel_loop3A_129 : i32 to index
        %parallel_loop3A_137 = tpu.vector_load %arg10[%parallel_loop3A_134, %parallel_loop3A_135, %parallel_loop3A_136] {strides = array<i32>} : memref<4x16x256xi32, #tpu.memory_space<vmem>>, vector<16xi32>,
        %parallel_loop3A_138 = arith.sitofp %parallel_loop3A_137 : vector<16xi32> to vector<16xf32>
        %parallel_loop3A_139 = arith.subf %parallel_loop3A_138, %parallel_loop3A_133 : vector<16xf32>
        %parallel_loop3A_140 = math.absf %parallel_loop3A_139 : vector<16xf32>
        %parallel_loop3A_141 = tpu.bitcast %parallel_loop3A_140 : vector<16xf32> -> vector<16xi32>
        %parallel_loop3A_142 = arith.constant 17 : i32
        %parallel_loop3A_143 = vector.broadcast %parallel_loop3A_142 : i32 to vector<16xi32>
        %parallel_loop3A_144 = arith.shrui %parallel_loop3A_141, %parallel_loop3A_143 : vector<16xi32>
        %parallel_loop3A_145 = arith.constant 8319 : i32
        %parallel_loop3A_146 = vector.broadcast %parallel_loop3A_145 : i32 to vector<16xi32>
        %parallel_loop3A_147 = arith.subi %parallel_loop3A_146, %parallel_loop3A_144 : vector<16xi32>
        %parallel_loop3A_148 = arith.constant 0 : i32
        %parallel_loop3A_149 = vector.broadcast %parallel_loop3A_148 : i32 to vector<16xi32>
        %parallel_loop3A_150 = arith.maxsi %parallel_loop3A_147, %parallel_loop3A_149 : vector<16xi32>
        %parallel_loop3A_151 = arith.constant 703 : i32
        %parallel_loop3A_152 = vector.broadcast %parallel_loop3A_151 : i32 to vector<16xi32>
        %parallel_loop3A_153 = arith.minsi %parallel_loop3A_150, %parallel_loop3A_152 : vector<16xi32>
        %parallel_loop3A_154 = arith.constant 704 : i32
        %parallel_loop3A_155 = vector.broadcast %parallel_loop3A_154 : i32 to vector<16xi32>
        %parallel_loop3A_156 = arith.muli %parallel_loop3A_155, %parallel_loop3A_137 : vector<16xi32>
        %parallel_loop3A_157 = arith.addi %parallel_loop3A_153, %parallel_loop3A_156 : vector<16xi32>
        %parallel_loop3A_158 = arith.constant 16 : i32
        %parallel_loop3A_159 = vector.broadcast %parallel_loop3A_158 : i32 to vector<16xi32>
        %parallel_loop3A_160 = arith.muli %parallel_loop3A_157, %parallel_loop3A_159 : vector<16xi32>
        %parallel_loop3A_161 = arith.addi %iota3A, %parallel_loop3A_160 : vector<16xi32>
        %parallel_loop3A_162 = arith.constant 7 : i32
        %parallel_loop3A_163 = vector.broadcast %parallel_loop3A_162 : i32 to vector<16xi32>
        %parallel_loop3A_164 = arith.shrui %parallel_loop3A_161, %parallel_loop3A_163 : vector<16xi32>
        %parallel_loop3A_165 = arith.constant 127 : i32
        %parallel_loop3A_166 = vector.broadcast %parallel_loop3A_165 : i32 to vector<16xi32>
        %parallel_loop3A_167 = arith.andi %parallel_loop3A_161, %parallel_loop3A_166 : vector<16xi32>
        tpu.vector_store_idx %arg5[%parallel_loop3A_164, %parallel_loop3A_167], %broadcast_in_dim3A_3 {add = true} : memref<176x128xf32, #tpu.memory_space<vmem>>[vector<16xi32>, vector<16xi32>], vector<16xf32>,
        tpu.vector_store_idx %arg6[%parallel_loop3A_164, %parallel_loop3A_167], %parallel_loop3A_140 {add = true} : memref<176x128xf32, #tpu.memory_space<vmem>>[vector<16xi32>, vector<16xi32>], vector<16xf32>,
      } {sc.loop_unroll_factor = 8 : i64, sc.parallel_access}
      %add3A_112 = arith.constant 3 : i32
      %add3A_113 = arith.addi %mul3A_56, %add3A_112 : i32
      %lt3A_114 = arith.constant 8 : i32
      %lt3A_115 = arith.cmpi slt, %add3A_113, %lt3A_114 : i32
      %convert_element_type3A_116 = arith.extui %lt3A_115 : i1 to i32
      %cond3A_117 = arith.constant 0 : i32
      %cond3A_118 = arith.cmpi ne, %convert_element_type3A_116, %cond3A_117 : i32
      scf.if %cond3A_118 {
        %add3A_119 = arith.constant 3 : i32
        %add3A_120 = arith.addi %mul3A_56, %add3A_119 : i32
        %mul3A_121 = arith.constant 4 : i32
        %mul3A_122 = arith.muli %add3A_120, %mul3A_121 : i32
        %add3A_123 = arith.addi %mul3A_2, %mul3A_122 : i32
        %shift_right_arithmetic3A_124 = arith.constant 8 : i32
        %shift_right_arithmetic3A_125 = arith.shrsi %add3A_123, %shift_right_arithmetic3A_124 : i32
        %and3A_126 = arith.constant 255 : i32
        %and3A_127 = arith.andi %add3A_123, %and3A_126 : i32
        %dma_start3A_128 = arith.constant 0 : i32
        %dma_start3A_129 = arith.constant 0 : i32
        %dma_start3A_130 = tpu.memref_slice %arg2[%shift_right_arithmetic3A_125, %and3A_127, %dma_start3A_128, %dma_start3A_129] : memref<4x256x16x256xf32, #tpu.memory_space<hbm>> -> memref<1x4x16x256xf32, #tpu.memory_space<hbm>>
        %dma_start3A_131 = tpu.memref_squeeze %dma_start3A_130 : memref<1x4x16x256xf32, #tpu.memory_space<hbm>> -> memref<4x16x256xf32, #tpu.memory_space<hbm>>
        %dma_start3A_132 = arith.constant 0 : i32
        %dma_start3A_133 = arith.constant 0 : i32
        %dma_start3A_134 = tpu.memref_slice %arg2[%shift_right_arithmetic3A_125, %and3A_127, %dma_start3A_132, %dma_start3A_133] : memref<4x256x16x256xf32, #tpu.memory_space<hbm>> -> memref<1x4x16x256xf32, #tpu.memory_space<hbm>>
        %dma_start3A_135 = tpu.memref_squeeze %dma_start3A_134 : memref<1x4x16x256xf32, #tpu.memory_space<hbm>> -> memref<4x16x256xf32, #tpu.memory_space<hbm>>
        tpu.enqueue_dma source(%dma_start3A_135 : memref<4x16x256xf32, #tpu.memory_space<hbm>>) target(%arg8 : memref<4x16x256xf32, #tpu.memory_space<vmem>>) target_semaphore(%arg12 : memref<!tpu.dma_semaphore, #tpu.memory_space<semaphore_mem>>)
        %dma_start3A_136 = arith.constant 0 : i32
        %dma_start3A_137 = arith.constant 0 : i32
        %dma_start3A_138 = tpu.memref_slice %arg3[%shift_right_arithmetic3A_125, %and3A_127, %dma_start3A_136, %dma_start3A_137] : memref<4x256x16x256xi32, #tpu.memory_space<hbm>> -> memref<1x4x16x256xi32, #tpu.memory_space<hbm>>
        %dma_start3A_139 = tpu.memref_squeeze %dma_start3A_138 : memref<1x4x16x256xi32, #tpu.memory_space<hbm>> -> memref<4x16x256xi32, #tpu.memory_space<hbm>>
        %dma_start3A_140 = arith.constant 0 : i32
        %dma_start3A_141 = arith.constant 0 : i32
        %dma_start3A_142 = tpu.memref_slice %arg3[%shift_right_arithmetic3A_125, %and3A_127, %dma_start3A_140, %dma_start3A_141] : memref<4x256x16x256xi32, #tpu.memory_space<hbm>> -> memref<1x4x16x256xi32, #tpu.memory_space<hbm>>
        %dma_start3A_143 = tpu.memref_squeeze %dma_start3A_142 : memref<1x4x16x256xi32, #tpu.memory_space<hbm>> -> memref<4x16x256xi32, #tpu.memory_space<hbm>>
        tpu.enqueue_dma source(%dma_start3A_143 : memref<4x16x256xi32, #tpu.memory_space<hbm>>) target(%arg10 : memref<4x16x256xi32, #tpu.memory_space<vmem>>) target_semaphore(%arg14 : memref<!tpu.dma_semaphore, #tpu.memory_space<semaphore_mem>>)
      } else {
      }
    }
    %scan3A_53 = arith.constant 4 : i32
    "tpu.region"() ({
      %run_scoped3A = tpu.sem_alloc : memref<!tpu.dma_semaphore, #tpu.memory_space<semaphore_mem>>
      %dma_start3A_54 = arith.constant 0 : i32
      %dma_start3A_55 = arith.constant 0 : i32
      %dma_start3A_56 = tpu.memref_slice %arg4[%add3A, %dma_start3A_54, %dma_start3A_55] : memref<32x352x128xf32, #tpu.memory_space<hbm>> -> memref<1x176x128xf32, #tpu.memory_space<hbm>>
      %dma_start3A_57 = tpu.memref_squeeze %dma_start3A_56 : memref<1x176x128xf32, #tpu.memory_space<hbm>> -> memref<176x128xf32, #tpu.memory_space<hbm>>
      %dma_start3A_58 = arith.constant 0 : i32
      %dma_start3A_59 = arith.constant 0 : i32
      %dma_start3A_60 = tpu.memref_slice %arg4[%add3A, %dma_start3A_58, %dma_start3A_59] : memref<32x352x128xf32, #tpu.memory_space<hbm>> -> memref<1x176x128xf32, #tpu.memory_space<hbm>>
      %dma_start3A_61 = tpu.memref_squeeze %dma_start3A_60 : memref<1x176x128xf32, #tpu.memory_space<hbm>> -> memref<176x128xf32, #tpu.memory_space<hbm>>
      tpu.enqueue_dma source(%arg5 : memref<176x128xf32, #tpu.memory_space<vmem>>) target(%dma_start3A_61 : memref<176x128xf32, #tpu.memory_space<hbm>>) target_semaphore(%run_scoped3A : memref<!tpu.dma_semaphore, #tpu.memory_space<semaphore_mem>>)
      %dma_wait3A = arith.constant 0 : i32
      %dma_wait3A_62 = arith.constant 0 : i32
      %dma_wait3A_63 = tpu.memref_slice %arg4[%add3A, %dma_wait3A, %dma_wait3A_62] : memref<32x352x128xf32, #tpu.memory_space<hbm>> -> memref<1x176x128xf32, #tpu.memory_space<hbm>>
      %dma_wait3A_64 = tpu.memref_squeeze %dma_wait3A_63 : memref<1x176x128xf32, #tpu.memory_space<hbm>> -> memref<176x128xf32, #tpu.memory_space<hbm>>
      %dma_wait3A_65 = arith.constant 0 : i32
      %dma_wait3A_66 = arith.constant 0 : i32
      %dma_wait3A_67 = tpu.memref_slice %arg4[%add3A, %dma_wait3A_65, %dma_wait3A_66] : memref<32x352x128xf32, #tpu.memory_space<hbm>> -> memref<1x176x128xf32, #tpu.memory_space<hbm>>
      %dma_wait3A_68 = tpu.memref_squeeze %dma_wait3A_67 : memref<1x176x128xf32, #tpu.memory_space<hbm>> -> memref<176x128xf32, #tpu.memory_space<hbm>>
      tpu.wait_dma2 semaphore(%run_scoped3A : memref<!tpu.dma_semaphore, #tpu.memory_space<semaphore_mem>>) src(%arg5 : memref<176x128xf32, #tpu.memory_space<vmem>>) dst(%dma_wait3A_68 : memref<176x128xf32, #tpu.memory_space<hbm>>)
      tpu.yield
    }) : () -> ()
    "tpu.region"() ({
      %run_scoped3A = tpu.sem_alloc : memref<!tpu.dma_semaphore, #tpu.memory_space<semaphore_mem>>
      %dma_start3A_54 = arith.constant 176 : i32
      %dma_start3A_55 = arith.constant 0 : i32
      %dma_start3A_56 = tpu.memref_slice %arg4[%add3A, %dma_start3A_54, %dma_start3A_55] : memref<32x352x128xf32, #tpu.memory_space<hbm>> -> memref<1x176x128xf32, #tpu.memory_space<hbm>>
      %dma_start3A_57 = tpu.memref_squeeze %dma_start3A_56 : memref<1x176x128xf32, #tpu.memory_space<hbm>> -> memref<176x128xf32, #tpu.memory_space<hbm>>
      %dma_start3A_58 = arith.constant 176 : i32
      %dma_start3A_59 = arith.constant 0 : i32
      %dma_start3A_60 = tpu.memref_slice %arg4[%add3A, %dma_start3A_58, %dma_start3A_59] : memref<32x352x128xf32, #tpu.memory_space<hbm>> -> memref<1x176x128xf32, #tpu.memory_space<hbm>>
      %dma_start3A_61 = tpu.memref_squeeze %dma_start3A_60 : memref<1x176x128xf32, #tpu.memory_space<hbm>> -> memref<176x128xf32, #tpu.memory_space<hbm>>
      tpu.enqueue_dma source(%arg6 : memref<176x128xf32, #tpu.memory_space<vmem>>) target(%dma_start3A_61 : memref<176x128xf32, #tpu.memory_space<hbm>>) target_semaphore(%run_scoped3A : memref<!tpu.dma_semaphore, #tpu.memory_space<semaphore_mem>>)
      %dma_wait3A = arith.constant 176 : i32
      %dma_wait3A_62 = arith.constant 0 : i32
      %dma_wait3A_63 = tpu.memref_slice %arg4[%add3A, %dma_wait3A, %dma_wait3A_62] : memref<32x352x128xf32, #tpu.memory_space<hbm>> -> memref<1x176x128xf32, #tpu.memory_space<hbm>>
      %dma_wait3A_64 = tpu.memref_squeeze %dma_wait3A_63 : memref<1x176x128xf32, #tpu.memory_space<hbm>> -> memref<176x128xf32, #tpu.memory_space<hbm>>
      %dma_wait3A_65 = arith.constant 176 : i32
      %dma_wait3A_66 = arith.constant 0 : i32
      %dma_wait3A_67 = tpu.memref_slice %arg4[%add3A, %dma_wait3A_65, %dma_wait3A_66] : memref<32x352x128xf32, #tpu.memory_space<hbm>> -> memref<1x176x128xf32, #tpu.memory_space<hbm>>
      %dma_wait3A_68 = tpu.memref_squeeze %dma_wait3A_67 : memref<1x176x128xf32, #tpu.memory_space<hbm>> -> memref<176x128xf32, #tpu.memory_space<hbm>>
      tpu.wait_dma2 semaphore(%run_scoped3A : memref<!tpu.dma_semaphore, #tpu.memory_space<semaphore_mem>>) src(%arg6 : memref<176x128xf32, #tpu.memory_space<vmem>>) dst(%dma_wait3A_68 : memref<176x128xf32, #tpu.memory_space<hbm>>)
      tpu.yield
    }) : () -> ()
    return
  }
}

module attributes {stable_mosaic.version = 14 : i64} {
  func.func @_tc_finish(%arg0: memref<32x352x128xf32, #tpu.memory_space<vmem>>, %arg1: memref<1x1xf32, #tpu.memory_space<smem>>) attributes {dimension_semantics = [], scalar_prefetch = 0 : i64, scratch_operands = 0 : i64, tpu.core_type = #tpu.core_type<tc>} {
    %get3A = arith.constant 0 : index
    %get3A_0 = arith.constant 0 : index
    %get3A_1 = arith.constant 0 : index
    %get3A_2 = vector.load %arg0[%get3A, %get3A_0, %get3A_1] : memref<32x352x128xf32, #tpu.memory_space<vmem>>, vector<32x352x128xf32>
    %reduce_sum3A = arith.constant dense<0.000000e+00> : vector<352x128xf32>
    %reduce_sum3A_3 = vector.multi_reduction <add>, %get3A_2, %reduce_sum3A [0] : vector<32x352x128xf32> to vector<352x128xf32>
    %iota3A = tpu.iota {dimensions = array<i32: 0>} : vector<128x8xi32>
    %iota3A_4 = tpu.iota {dimensions = array<i32: 1>} : vector<128x8xi32>
    %shift_right_logical3A = arith.constant 4 : i32
    %shift_right_logical3A_5 = vector.broadcast %shift_right_logical3A : i32 to vector<128x8xi32>
    %shift_right_logical3A_6 = arith.shrui %iota3A, %shift_right_logical3A_5 : vector<128x8xi32>
    %eq3A = arith.cmpi eq, %shift_right_logical3A_6, %iota3A_4 : vector<128x8xi32>
    %convert_element_type3A = arith.extui %eq3A : vector<128x8xi1> to vector<128x8xi32>
    %convert_element_type3A_7 = arith.sitofp %convert_element_type3A : vector<128x8xi32> to vector<128x8xf32>
    %dot_general3A = arith.constant dense<0.000000e+00> : vector<352x8xf32>
    %dot_general3A_8 = tpu.matmul %reduce_sum3A_3, %convert_element_type3A_7, %dot_general3A {dimension_numbers = #tpu.dot_dimension_numbers<[1], [0], [0], [1], [0, 0, 1, 1], [], []>, precision = #tpu.contract_precision<fp32>, transpose_lhs_hint = false} : vector<352x128xf32>, vector<128x8xf32>, vector<352x8xf32> -> vector<352x8xf32>
    %slice3A = vector.extract_strided_slice %dot_general3A_8 {offsets = [0, 0], sizes = [88, 8], strides = [1, 1]} : vector<352x8xf32> to vector<88x8xf32>
    %slice3A_9 = vector.extract_strided_slice %dot_general3A_8 {offsets = [88, 0], sizes = [88, 8], strides = [1, 1]} : vector<352x8xf32> to vector<88x8xf32>
    %slice3A_10 = vector.extract_strided_slice %dot_general3A_8 {offsets = [176, 0], sizes = [88, 8], strides = [1, 1]} : vector<352x8xf32> to vector<88x8xf32>
    %slice3A_11 = vector.extract_strided_slice %dot_general3A_8 {offsets = [264, 0], sizes = [88, 8], strides = [1, 1]} : vector<352x8xf32> to vector<88x8xf32>
    %add3A = arith.addf %slice3A, %slice3A_9 : vector<88x8xf32>
    %add3A_12 = arith.addf %slice3A_10, %slice3A_11 : vector<88x8xf32>
    %iota3A_13 = tpu.iota {dimensions = array<i32: 0>} : vector<8x8xi32>
    %iota3A_14 = tpu.iota {dimensions = array<i32: 1>} : vector<8x8xi32>
    %lt3A = arith.cmpi slt, %iota3A_13, %iota3A_14 : vector<8x8xi32>
    %convert_element_type3A_15 = arith.extui %lt3A : vector<8x8xi1> to vector<8x8xi32>
    %convert_element_type3A_16 = arith.sitofp %convert_element_type3A_15 : vector<8x8xi32> to vector<8x8xf32>
    %iota3A_17 = tpu.iota {dimensions = array<i32: 0>} : vector<88x88xi32>
    %iota3A_18 = tpu.iota {dimensions = array<i32: 1>} : vector<88x88xi32>
    %gt3A = arith.cmpi sgt, %iota3A_17, %iota3A_18 : vector<88x88xi32>
    %convert_element_type3A_19 = arith.extui %gt3A : vector<88x88xi1> to vector<88x88xi32>
    %convert_element_type3A_20 = arith.sitofp %convert_element_type3A_19 : vector<88x88xi32> to vector<88x88xf32>
    %broadcast_in_dim3A = arith.constant 1.000000e+00 : f32
    %broadcast_in_dim3A_21 = vector.broadcast %broadcast_in_dim3A : f32 to vector<8x1xf32>
    %dot_general3A_22 = arith.constant dense<0.000000e+00> : vector<88x8xf32>
    %dot_general3A_23 = tpu.matmul %add3A, %convert_element_type3A_16, %dot_general3A_22 {dimension_numbers = #tpu.dot_dimension_numbers<[1], [0], [0], [1], [0, 0, 1, 1], [], []>, precision = #tpu.contract_precision<fp32>, transpose_lhs_hint = false} : vector<88x8xf32>, vector<8x8xf32>, vector<88x8xf32> -> vector<88x8xf32>
    %dot_general3A_24 = arith.constant dense<0.000000e+00> : vector<88x1xf32>
    %dot_general3A_25 = tpu.matmul %add3A, %broadcast_in_dim3A_21, %dot_general3A_24 {dimension_numbers = #tpu.dot_dimension_numbers<[1], [0], [0], [1], [0, 0, 1, 1], [], []>, precision = #tpu.contract_precision<fp32>, transpose_lhs_hint = false} : vector<88x8xf32>, vector<8x1xf32>, vector<88x1xf32> -> vector<88x1xf32>
    %dot_general3A_26 = arith.constant dense<0.000000e+00> : vector<88x1xf32>
    %dot_general3A_27 = tpu.matmul %convert_element_type3A_20, %dot_general3A_25, %dot_general3A_26 {dimension_numbers = #tpu.dot_dimension_numbers<[1], [0], [0], [1], [0, 0, 1, 1], [], []>, precision = #tpu.contract_precision<fp32>, transpose_lhs_hint = false} : vector<88x88xf32>, vector<88x1xf32>, vector<88x1xf32> -> vector<88x1xf32>
    %add3A_28 = vector.broadcast %dot_general3A_27 : vector<88x1xf32> to vector<88x8xf32>
    %add3A_29 = arith.addf %dot_general3A_23, %add3A_28 : vector<88x8xf32>
    %dot_general3A_30 = arith.constant dense<0.000000e+00> : vector<88x8xf32>
    %dot_general3A_31 = tpu.matmul %slice3A_9, %convert_element_type3A_16, %dot_general3A_30 {dimension_numbers = #tpu.dot_dimension_numbers<[1], [0], [0], [1], [0, 0, 1, 1], [], []>, precision = #tpu.contract_precision<fp32>, transpose_lhs_hint = false} : vector<88x8xf32>, vector<8x8xf32>, vector<88x8xf32> -> vector<88x8xf32>
    %dot_general3A_32 = arith.constant dense<0.000000e+00> : vector<88x1xf32>
    %dot_general3A_33 = tpu.matmul %slice3A_9, %broadcast_in_dim3A_21, %dot_general3A_32 {dimension_numbers = #tpu.dot_dimension_numbers<[1], [0], [0], [1], [0, 0, 1, 1], [], []>, precision = #tpu.contract_precision<fp32>, transpose_lhs_hint = false} : vector<88x8xf32>, vector<8x1xf32>, vector<88x1xf32> -> vector<88x1xf32>
    %dot_general3A_34 = arith.constant dense<0.000000e+00> : vector<88x1xf32>
    %dot_general3A_35 = tpu.matmul %convert_element_type3A_20, %dot_general3A_33, %dot_general3A_34 {dimension_numbers = #tpu.dot_dimension_numbers<[1], [0], [0], [1], [0, 0, 1, 1], [], []>, precision = #tpu.contract_precision<fp32>, transpose_lhs_hint = false} : vector<88x88xf32>, vector<88x1xf32>, vector<88x1xf32> -> vector<88x1xf32>
    %add3A_36 = vector.broadcast %dot_general3A_35 : vector<88x1xf32> to vector<88x8xf32>
    %add3A_37 = arith.addf %dot_general3A_31, %add3A_36 : vector<88x8xf32>
    %reduce_sum3A_38 = vector.shape_cast %slice3A_9 : vector<88x8xf32> to vector<1x88x8xf32>
    %reduce_sum3A_39 = arith.constant dense<0.000000e+00> : vector<1xf32>
    %reduce_sum3A_40 = vector.multi_reduction <add>, %reduce_sum3A_38, %reduce_sum3A_39 [1, 2] : vector<1x88x8xf32> to vector<1xf32>
    %reduce_sum3A_41 = vector.shape_cast %reduce_sum3A_40 : vector<1xf32> to vector<1x1x1xf32>
    %reduce_sum3A_42 = vector.extract %reduce_sum3A_41[0, 0, 0] : f32 from vector<1x1x1xf32>
    %sub3A = vector.broadcast %reduce_sum3A_42 : f32 to vector<88x8xf32>
    %sub3A_43 = arith.subf %sub3A, %add3A_37 : vector<88x8xf32>
    %add3A_44 = vector.broadcast %reduce_sum3A_42 : f32 to vector<88x8xf32>
    %add3A_45 = arith.addf %add3A_44, %add3A_29 : vector<88x8xf32>
    %sub3A_46 = arith.subf %add3A_45, %add3A_37 : vector<88x8xf32>
    %sub3A_47 = arith.subf %add3A, %slice3A_9 : vector<88x8xf32>
    %add3A_48 = arith.addf %sub3A_46, %sub3A_47 : vector<88x8xf32>
    %sub3A_49 = arith.subf %add3A, %slice3A_9 : vector<88x8xf32>
    %mul3A = arith.mulf %sub3A_43, %sub3A_49 : vector<88x8xf32>
    %mul3A_50 = arith.mulf %slice3A_9, %sub3A_46 : vector<88x8xf32>
    %add3A_51 = arith.addf %mul3A, %mul3A_50 : vector<88x8xf32>
    %mul3A_52 = arith.mulf %sub3A_46, %add3A_48 : vector<88x8xf32>
    %max3A = arith.constant 1.000000e+00 : f32
    %max3A_53 = vector.broadcast %max3A : f32 to vector<88x8xf32>
    %max3A_54 = arith.maximumf %mul3A_52, %max3A_53 : vector<88x8xf32>
    %div3A = arith.divf %add3A_51, %max3A_54 : vector<88x8xf32>
    %mul3A_55 = arith.mulf %add3A_12, %div3A : vector<88x8xf32>
    %max3A_56 = arith.constant 1.000000e+00 : f32
    %max3A_57 = vector.broadcast %max3A_56 : f32 to vector<88x8xf32>
    %max3A_58 = arith.maximumf %add3A, %max3A_57 : vector<88x8xf32>
    %div3A_59 = arith.divf %mul3A_55, %max3A_58 : vector<88x8xf32>
    %reduce_sum3A_60 = vector.shape_cast %div3A_59 : vector<88x8xf32> to vector<1x88x8xf32>
    %reduce_sum3A_61 = arith.constant dense<0.000000e+00> : vector<1xf32>
    %reduce_sum3A_62 = vector.multi_reduction <add>, %reduce_sum3A_60, %reduce_sum3A_61 [1, 2] : vector<1x88x8xf32> to vector<1xf32>
    %reduce_sum3A_63 = vector.shape_cast %reduce_sum3A_62 : vector<1xf32> to vector<1x1x1xf32>
    %reduce_sum3A_64 = vector.extract %reduce_sum3A_63[0, 0, 0] : f32 from vector<1x1x1xf32>
    %swap3A = arith.constant 0 : index
    %swap3A_65 = arith.constant 0 : index
    %swap3A_66 = memref.load %arg1[%swap3A, %swap3A_65] : memref<1x1xf32, #tpu.memory_space<smem>>
    memref.store %reduce_sum3A_64, %arg1[%swap3A, %swap3A_65] : memref<1x1xf32, #tpu.memory_space<smem>>
    return
  }
}

</mosaic_0001>

<sc_bundles>
// kernel: kernel.4.cloned.1.call-start
scs
__scs_entry_jumppad:
0x0: {  	(pc) =	sbr.rel $0x88, $3  }
0x1: {  	(tag) =	ssettag $0x0;
	lr =	simm.s32 $0x1  }
0x2: {  	[smem:$0x3F9F] =	sst lr;
	_ =	strace $0xD0000000  }
0x3: {  	_ = 	snop  }
0x4: {  	_ = 	snop  }
0x5: {  	_ = 	snop  }
0x6: {  	_ = 	snop  }
0x7: {  	_ = 	snop  }
__scs_overlays_trampoline_lowered:
0x8: {  	[smem:$0x3FAE] =	sst s0  }
0x9: {  	[smem:$0x3FAF] =	sst s1  }
0xa: {  	[smem:$0x3FB0] =	sst s2  }
0xb: {  	[smem:$0x3FB1] =	sst s3  }
0xc: {  	[smem:$0x3FB2] =	sst s4  }
0xd: {  	[smem:$0x3FB3] =	sst s5  }
0xe: {  	[smem:$0x3FB4] =	sst s6  }
0xf: {  	[smem:$0x3FB5] =	sst s7  }
0x10: {  	[smem:$0x3FB6] =	sst s8  }
0x11: {  	[smem:$0x3FB7] =	sst s9;
	s0 =	simm.s32 @!p0 $0x0  }
0x12: {  	s1 =	sld [smem:$0x3F9D];
	s0 =	simm.s32 @p0 $0x1  }
0x13: {  	[smem:$0x3FB8] =	sst s0;
	s0 =	simm.s32 @!p1 $0x0  }
0x14: {  	s2 =	sld [smem:$0x3F9C];
	s0 =	simm.s32 @p1 $0x1  }
0x15: {  	[smem:$0x3FB9] =	sst s0;
	s0 =	simm.s32 @!p2 $0x0  }
0x16: {  	s3 =	sld [smem:$0x3FDB];
	s0 =	simm.s32 @p2 $0x1  }
0x17: {  	s4 =	simm.s32 $0x1BF5;
	[smem:$0x3FBB] =	sst s0  }
0x18: {  	s0 =	sld [smem:$0x3F9E];
	_ =	swait.ge [sflag:s4], $0x0  }
0x19: {  	s7 =	sld [smem:$0x3F9F]  }
0x1a: {  	s8 =	sadd.s32 $0xFFFFE003, lr  }
0x1b: {  	s9 =	sadd.s32 $0xFFFFFEF7, lr;
	s5 =	simm.s32 $0xFFFFFFFF;
	p2 =	slt.u32 s8, $0xFFFFF086  }
0x1c: {  	p1 =	slt.u32 s9, $0xF7A;
	s5 =	simm.s32 @!p2 $0x0  }
0x1d: {  	s5 =	simm.s32 @p1 $0x1;
	p0 =	seq.s32 s7, s2  }
0x1e: {  	s7 =	smul.u32 @!p0 $0xF7A, s2;
	p2 =	seq.s32 @!p0 s5, $0x0  }
0x1f: {  	s9 =	smul.u32 $0xF7A, s1;
	s8 =	simm.s32 @!p0 $0x1BF5;
	p2 =	por !p2, p0  }
0x20: {  	[sflag:s8] =	ssyncset.s32 @!p0 $0xFFFFF086;
	s6 =	sadd.s32 @!p0 s3, s7;
	s7 =	simm.s32 @!p0 $0x108  }
0x21: {  	s3 =	sadd.s32 s3, s9;
	s6 =	sadd.s32 @!p0 $0x88, s6;
	s7 =	simm.s32 @p2 $0x1082  }
0x22: {  	[simem:s7], [sflag:s8] =	dma.local @!p0 [hbm:s6], $0xF7A  }
0x23: {  	s9 =	sor.u32 $0xD0000000, s2;
	s6 =	simm.s32 $0x108;
	_ =	swait.ge @!p0 [sflag:s8], $0x0  }
0x24: {  	s3 =	sadd.s32 $0x88, s3;
	s6 =	simm.s32 @!p1 $0x1082;
	[sflag:s4] =	ssyncset.s32 $0xFFFFF086  }
0x25: {  	[simem:s6], [sflag:s4] =	dma.local [hbm:s3], $0xF7A  }
0x26: {  	[smem:$0x3F9F] =	sst s1;
	(tag) =	ssettag s2;
	_ =	strace s9  }
0x27: {  	s1 =	sld [smem:$0x3FAF]  }
0x28: {  	s2 =	sld [smem:$0x3FB0]  }
0x29: {  	s4 =	sld [smem:$0x3FB2]  }
0x2a: {  	p0 =	seq.s32 s5, $0x0;
	s5 =	sld [smem:$0x3FB3]  }
0x2b: {  	s6 =	sld [smem:$0x3FB4]  }
0x2c: {  	s7 =	sld [smem:$0x3FB5]  }
0x2d: {  	s3 =	simm.s32 $0x108;
	s8 =	sld [smem:$0x3FB6]  }
0x2e: {  	s3 =	simm.s32 @!p0 $0x1082;
	s9 =	sld [smem:$0x3FB7]  }
0x2f: {  	lr =	sadd.s32 s0, s3;
	s0 =	sld [smem:$0x3FAE]  }
0x30: {  	s3 =	sld [smem:$0x3FB1]  }
0x31: {  	[smem:$0x3FBA] =	sst s10  }
0x32: {  	s10 =	sld [smem:$0x3FB8];
	_ =	sdelay $0x3  }
0x33: {  	p0 =	seq.s32 s10, $0x1;
	s10 =	sld [smem:$0x3FBA];
	_ =	sdelay $0x3  }
0x34: {  	[smem:$0x3FBA] =	sst s10  }
0x35: {  	s10 =	sld [smem:$0x3FB9];
	_ =	sdelay $0x3  }
0x36: {  	p1 =	seq.s32 s10, $0x1;
	s10 =	sld [smem:$0x3FBA];
	_ =	sdelay $0x3  }
0x37: {  	[smem:$0x3FBA] =	sst s10  }
0x38: {  	s10 =	sld [smem:$0x3FBB]  }
0x39: {  	_ = 	snop;
	(pc) =	sbr.ind lr, $3  }
0x3a: {  	_ = 	snop  }
0x3b: {  	_ = 	snop  }
0x3c: {  	p2 =	seq.s32 s10, $0x1;
	s10 =	sld [smem:$0x3FBA]  }
0x3d: {  	_ =	shalt  }
0x3e: {  	_ =	shalt  }
0x3f: {  	_ =	shalt  }
0x40: {  	_ =	shalt  }
0x41: {  	_ =	shalt  }
0x42: {  	_ =	shalt  }
0x43: {  	_ =	shalt  }
0x44: {  	_ =	shalt  }
0x45: {  	_ =	shalt  }
0x46: {  	_ =	shalt  }
0x47: {  	_ =	shalt  }
0x48: {  	_ =	shalt  }
0x49: {  	_ =	shalt  }
0x4a: {  	_ =	shalt  }
0x4b: {  	_ =	shalt  }
0x4c: {  	_ =	shalt  }
0x4d: {  	_ =	shalt  }
0x4e: {  	_ =	shalt  }
0x4f: {  	_ =	shalt  }
0x50: {  	_ =	shalt  }
0x51: {  	_ =	shalt  }
0x52: {  	_ =	shalt  }
0x53: {  	_ =	shalt  }
0x54: {  	_ =	shalt  }
0x55: {  	_ =	shalt  }
0x56: {  	_ =	shalt  }
0x57: {  	_ =	shalt  }
0x58: {  	_ =	shalt  }
0x59: {  	_ =	shalt  }
0x5a: {  	_ =	shalt  }
0x5b: {  	_ =	shalt  }
0x5c: {  	_ =	shalt  }
0x5d: {  	_ =	shalt  }
0x5e: {  	_ =	shalt  }
0x5f: {  	_ =	shalt  }
0x60: {  	_ =	shalt  }
0x61: {  	_ =	shalt  }
0x62: {  	_ =	shalt  }
0x63: {  	_ =	shalt  }
0x64: {  	_ =	shalt  }
0x65: {  	_ =	shalt  }
0x66: {  	_ =	shalt  }
0x67: {  	_ =	shalt  }
0x68: {  	_ =	shalt  }
0x69: {  	_ =	shalt  }
0x6a: {  	_ =	shalt  }
0x6b: {  	_ =	shalt  }
0x6c: {  	_ =	shalt  }
0x6d: {  	_ =	shalt  }
0x6e: {  	_ =	shalt  }
0x6f: {  	_ =	shalt  }
0x70: {  	_ =	shalt  }
0x71: {  	_ =	shalt  }
0x72: {  	_ =	shalt  }
0x73: {  	_ =	shalt  }
0x74: {  	_ =	shalt  }
0x75: {  	_ =	shalt  }
0x76: {  	_ =	shalt  }
0x77: {  	_ =	shalt  }
0x78: {  	_ =	shalt  }
0x79: {  	_ =	shalt  }
0x7a: {  	_ =	shalt  }
0x7b: {  	_ =	shalt  }
0x7c: {  	_ =	shalt  }
0x7d: {  	_ =	shalt  }
0x7e: {  	_ =	shalt  }
0x7f: {  	_ =	shalt  }
0x80: {  	_ =	shalt  }
0x81: {  	_ =	shalt  }
0x82: {  	_ =	shalt  }
0x83: {  	_ =	shalt  }
0x84: {  	_ =	shalt  }
0x85: {  	_ =	shalt  }
0x86: {  	_ =	shalt  }
0x87: {  	_ =	shalt  }
.Lfunc_end0:
.L_simem_size_0:
called_computation_lowered:
.L_overlay_start_0:
0x88: {  	s2 =	sld [smem:$0x3FD9]  }
0x89: {  	s3 =	sld [smem:$0x3FFE];
	_ =	sdelay $0x1  }
0x8a: {  	s1 =	srdreg.scid  }
0x8b: {  	s0 =	sand.u32 $0x1, s1  }
0x8c: {  	s17 =	sshll.u32 s0, $0xA;
	s2 =	sadd.s32 s3, s2  }
0x8d: {  	s2 =	sadd.s32 s2, s17  }
0x8e: {  	[smem:$0x3FC6] =	sst s2  }
0x8f: {  	_ = 	snop  }
0x90: {  	s2 =	sld [smem:$0x3FC9]  }
0x91: {  	s18 =	sld [smem:$0x3FC8];
	(tm) =	ssettm $0x1  }
0x92: {  	s4 =	sld [smem:$0x3FFB];
	_ =	sdelay $0x3  }
0x93: {  	_ =	strace s4  }
0x94: {  	s4 =	sld [smem:$0x3FFC];
	_ =	sdelay $0x3  }
0x95: {  	_ =	strace s4  }
0x96: {  	s4 =	sld [smem:$0x3FFD];
	_ =	sdelay $0x3  }
0x97: {  	_ =	strace s4  }
0x98: {  	_ =	strace $0x8FFFFFFF  }
0x99: {  	s19 =	sld [smem:$0x3FDB];
	_ =	sdelay $0x1  }
0x9a: {  	s5 =	simm.s32 $_scs_section_size  }
0x9b: {  	s6 =	simm.s32 $_size__tile_overlayer_lowered;
	s7 =	simm.s32 $_tile_overlayer_lowered  }
0x9c: {  	s22 =	simm.s32 $0x1BFF;
	s21 =	sshll.u32 s7, $0x1;
	s4 =	sadd.s32 s5, s19  }
0x9d: {  	s8 =	simm.s32 $0x0;
	s20 =	sshll.u32 s6, $0x1;
	s6 =	sadd.s32 s21, s4  }
0x9e: {  	[timem:s8], [sflag:s22] =	dma.local [hbm:s6], s20  }
0x9f: {  	_ =	swait.ge [sflag:s22], s20  }
0xa0: {  	s5 =	ssub.s32 $0x0, s20;
	[sflag:s22] =	ssyncset.done $0x0  }
0xa1: {  	[sflag:s22] =	ssyncadd.s32 s5;
	_ =	sdelay $0x1  }
0xa2: {  	s23 =	simm.s32 $0x1B8B  }
0xa3: {  	_ =	swait.ge [sflag:s23], $0x1  }
0xa4: {  	[sflag:s23] =	ssyncset.done $0x0  }
0xa5: {  	s25 =	simm.s32 $0x1B8E;
	s24 =	sld [smem:$0x3FFE];
	[sflag:s23] =	ssyncadd.s32 $0xFFFFFFFF  }
0xa6: {  	s26 =	simm.s32 $execute0_lowered;
	[smem:$0x3FD2] =	sst s25  }
0xa7: {  	s6 =	sshll.u32 s26, $0x1;
	_ =	strace $0x80000046;
	[dreg:$0x1] =	wrdreg $0xFFFFFFFF  }
0xa8: {  	s28 =	simm.s32 $_size_execute0_lowered;
	s4 =	sadd.s32 s4, s6;
	[dreg:$0x0] =	wrdreg $0x0  }
0xa9: {  	s6 =	sshll.u32 s28, $0x1;
	[dreg:$0x2] =	wrdreg s4  }
0xaa: {  	[dreg:$0x3] =	wrdreg s6  }
0xab: {  	[dreg:$0x4] =	wrdreg $0xC0  }
0xac: {  	_ =	task [dreg:s8], $0x5FFFF  }
0xad: {  	[dreg:$0x1] =	wrdreg $0xFFFFFFFF  }
0xae: {  	[dreg:$0x0] =	wrdreg $0x60  }
0xaf: {  	[dreg:$0x2] =	wrdreg s2  }
0xb0: {  	[dreg:$0x3] =	wrdreg s18  }
0xb1: {  	[dreg:$0x4] =	wrdreg s24  }
0xb2: {  	[dreg:$0x5] =	wrdreg $0x9  }
0xb3: {  	_ =	task.clear_ibuf [dreg:s8], $0x6FFFF;
	_ =	strace $0x90000046  }
0xb4: {  	s29 =	simm.s32 $0x9;
	_ =	strace $0x80000048  }
0xb5: {  	_ =	swait.ge [sflag:s29], $0x1  }
0xb6: {  	[sflag:s29] =	ssyncadd.s32 $0xFFFFFFFF  }
0xb7: {  	_ =	strace $0x90000048  }
0xb8: {  	_ =	sfence  }
0xb9: {  	s30 =	sld [smem:$0x0];
	_ =	sdelay $0x2  }
0xba: {  	s31 =	sshll.u32 s1, $0xD;
	s1 =	sshrl.u32 s1, $0x2  }
0xbb: {  	s3 =	sand.u32 $0x4000, s31;
	s1 =	sadd.s32 s1, s30  }
0xbc: {  	s0 =	sor.u32 s3, s0;
	s1 =	sshll.u32 s1, $0x11  }
0xbd: {  	s0 =	sor.u32 s1, s0  }
0xbe: {  	s0 =	sadd.s32 $0x8F2B, s0  }
0xbf: {  	[sflag:s0] =	ssyncadd.remote.s32 $0x1  }
0xc0: {  	_ =	sfence.sel $0xFFFF  }
0xc1: {  	[dreg:$0x0] =	wrdreg $0xFFFFFFFF;
	(pc) =	sbr.abs _section_cstart, $3  }
0xc2: {  	[dreg:$0x1] =	wrdreg $0xFFFFFFFF  }
0xc3: {  	_ =	task.clear_ibuf [dreg:s8], $0x2FFFF;
	_ =	strace $0x9FFFFFFF  }
0xc4: {  	(tm) =	ssettm $0x7FFFFFFF  }
0xc5: {  	_ =	shalt  }
tec
execute0_lowered:
.L_overlay_start_1:
0x0: {  	(tag) =	ssettag $0x1  }
0x1: {  	s1 =	rddreg [dreg:$0x0]  }
0x2: {  	s0 =	srdreg.scid;
	s3 =	rddreg [dreg:$0x1]  }
0x3: {  	s2 =	stileid.u32;
	s5 =	rddreg [dreg:$0x2]  }
0x4: {  	s4 =	simm.s32 $0x0;
	s15 =	simm.s32 $0x13000;
	s16 =	simm.s32 $0xF000  }
0x5: {  	s17 =	simm.s32 $0x17000;
	s18 =	simm.s32 $0x1;
	s19 =	simm.s32 $0x3  }
0x6: {  	s20 =	simm.s32 $0x5800;
	s21 =	simm.s32 $0x2;
	s22 =	simm.s32 $0x4  }
0x7: {  	s23 =	simm.s32 $0x5;
	s0 =	sand.u32 $0x1, s0;
	s2 =	sshll.u32 s2, $0x1  }
0x8: {  	s24 =	simm.s32 $0x0;
	s25 =	simm.s32 $0x0;
	s2 =	sor.u32 s0, s2  }
0x9: {  	[smem:$0x7FF] =	sst s4;
	s0 =	ssub.s32 $0x2, s0;
	s6 =	smul.u32 $0xB000, s2  }
0xa: {  	_ =	strace $0x80000047;
	s31 =	sshrl.u32 s0, $0x1;
	s10 =	sshll.u32 s2, $0x5  }
.Ltmp0:
0xb: {  	s2 =	sshll.u32 s2, $0xE;
	s6 =	sshrl.u32 s6, $0x3;
	(pc) =	sbr.rel .LBB2_1-.Ltmp0, $4  }
0xc: {  	s0 =	ssub.s32 s0, s31;
	s9 =	sor.u32 $0x8, s10;
	s12 =	sadd.s32 s6, s5  }
0xd: {  	s5 =	sadd.s32 s1, s2;
	s6 =	sadd.s32 s3, s2;
	s2 =	sor.u32 $0x800, s2  }
0xe: {  	s10 =	sor.u32 $0xC, s10;
	s13 =	smax.u32 s0, $0x1;
	s7 =	sadd.s32 s1, s2  }
0xf: {  	v0 =	vimm.f32 $0.0e+00;
	v1 =	vlaneseq.u32;
	v2 =	vimm.f32 $1.000000000e+00;
	s8 =	sadd.s32 s3, s2;
	s11 =	sadd.s32 $0x600, s12;
	s12 =	sadd.s32 $0x1100, s12  }
.LBB2_10:
0x10: {  	[hbm4b:s11+s4] =	stream.linear.scatter [tilespmem:s4], [sflag:$0x5], $0x5800, $0x38;
	[tilespmem:$0x1B000] =	vst v63  }
0x11: {  	s24 =	sadd.s32 $0x1, s24;
	_ =	swait.ge [sflag:s23], $0x5800  }
0x12: {  	p0 =	sne.s32 s24, s13;
	[sflag:s23] =	ssyncset.done $0x0  }
.Ltmp1:
0x13: {  	[sflag:s23] =	ssyncadd.s32 $0xFFFFA800;
	(pc) =	sbr.rel @!p0 .LBB2_11-.Ltmp1, $4  }
0x14: {  	[hbm4b:s12+s4] =	stream.linear.scatter [tilespmem:s20], [sflag:$0x5], $0x5800, $0x38;
	[tilespmem:$0x1B000] =	vst v63  }
0x15: {  	_ =	swait.ge [sflag:s23], $0x5800  }
0x16: {  	[sflag:s23] =	ssyncset.done $0x0  }
0x17: {  	[sflag:s23] =	ssyncadd.s32 $0xFFFFA800  }
.LBB2_1:
0x18: {  	s0 =	simm.s32 $0xB000  }
0x19: {  	[tilespmem:s0], [sflag:$0x1] =	stream.linear.gather [hbm4b:s5+s4], $0x4000, $0x38;
	[tilespmem:$0x1B000] =	vst v63  }
0x1a: {  	_ = 	snop  }
0x1b: {  	[tilespmem:s15], [sflag:$0x3] =	stream.linear.gather [hbm4b:s6+s4], $0x4000, $0x38;
	[tilespmem:$0x1B000] =	vst v63  }
0x1c: {  	_ = 	snop  }
0x1d: {  	[tilespmem:s16], [sflag:$0x2] =	stream.linear.gather [hbm4b:s7+s4], $0x4000, $0x38;
	[tilespmem:$0x1B000] =	vst v63  }
0x1e: {  	s0 =	simm.s32 $0x40  }
0x1f: {  	[tilespmem:s17], [sflag:$0x4] =	stream.linear.gather [hbm4b:s8+s4], $0x4000, $0x38;
	[tilespmem:$0x1B000] =	vst v63  }
0x20: {  	[tilespmem:s0+$0x30] =	vst v0  }
0x21: {  	[tilespmem:s0+$0xFFFFFFF0] =	vst v0  }
0x22: {  	[tilespmem:s0+$0xFFFFFFC0] =	vst v0  }
0x23: {  	[tilespmem:s0+$0xFFFFFFE0] =	vst v0  }
0x24: {  	[tilespmem:s0+$0x10] =	vst v0  }
0x25: {  	[tilespmem:s0+$0x20] =	vst v0  }
0x26: {  	[tilespmem:s0+$0x0] =	vst v0  }
0x27: {  	s2 =	simm.s32 $0x5840;
	[tilespmem:s0+$0xFFFFFFD0] =	vst v0  }
0x28: {  	[tilespmem:s2+$0xFFFFFFC0] =	vst v0  }
0x29: {  	[tilespmem:s2+$0x30] =	vst v0  }
0x2a: {  	[tilespmem:s2+$0x20] =	vst v0  }
0x2b: {  	[tilespmem:s2+$0x10] =	vst v0  }
0x2c: {  	[tilespmem:s2+$0xFFFFFFE0] =	vst v0  }
0x2d: {  	[tilespmem:s2+$0x0] =	vst v0  }
0x2e: {  	s26 =	simm.s32 $0x0;
	[tilespmem:s2+$0xFFFFFFF0] =	vst v0  }
.LBB2_2:
0x2f: {  	s26 =	sadd.s32 $0x8, s26;
	[tilespmem:s2+$0xFFFFFFD0] =	vst v0;
	s0 =	sadd.s32 $0x80, s0;
	s2 =	sadd.s32 $0x80, s2  }
0x30: {  	[tilespmem:s0+$0x30] =	vst v0;
	p0 =	slt.u32 s26, $0x578  }
0x31: {  	[tilespmem:s0+$0xFFFFFFF0] =	vst v0  }
0x32: {  	[tilespmem:s0+$0xFFFFFFC0] =	vst v0  }
0x33: {  	[tilespmem:s2+$0xFFFFFFC0] =	vst v0  }
0x34: {  	[tilespmem:s2+$0x30] =	vst v0  }
0x35: {  	[tilespmem:s0+$0xFFFFFFE0] =	vst v0  }
0x36: {  	[tilespmem:s0+$0x10] =	vst v0  }
0x37: {  	[tilespmem:s0+$0x20] =	vst v0  }
0x38: {  	[tilespmem:s2+$0x20] =	vst v0  }
0x39: {  	[tilespmem:s2+$0x10] =	vst v0  }
.Ltmp2:
0x3a: {  	[tilespmem:s2+$0xFFFFFFE0] =	vst v0;
	(pc) =	sbr.rel @p0 .LBB2_2-.Ltmp2, $4  }
0x3b: {  	[tilespmem:s0+$0x0] =	vst v0  }
0x3c: {  	[tilespmem:s2+$0x0] =	vst v0  }
0x3d: {  	[tilespmem:s2+$0xFFFFFFF0] =	vst v0  }
0x3e: {  	[tilespmem:s0+$0xFFFFFFD0] =	vst v0  }
0x3f: {  	[tilespmem:s2+$0xFFFFFFD0] =	vst v0;
	s26 =	simm.s32 $0x0  }
.LBB2_4:
0x40: {  	_ =	swait.ge [sflag:s18], $0x4000  }
0x41: {  	[sflag:s18] =	ssyncset.done $0x0  }
0x42: {  	[sflag:s18] =	ssyncadd.s32 $0xFFFFC000  }
0x43: {  	s0 =	sand.u32 $0x3800, s25;
	s2 =	sand.u32 $0x400, s25;
	_ =	swait.ge [sflag:s19], $0x4000  }
0x44: {  	s14 =	sand.u32 $0x380, s25;
	s0 =	sor.u32 s2, s0;
	[sflag:s19] =	ssyncset.done $0x0  }
0x45: {  	s0 =	sor.u32 s14, s0;
	[sflag:s19] =	ssyncadd.s32 $0xFFFFC000  }
0x46: {  	v3 =	vld [tilespmem:s0+$0x13070]  }
0x47: {  	v4 =	vld [tilespmem:s0+$0x13000]  }
0x48: {  	v5 =	vld [tilespmem:s0+$0xB070]  }
0x49: {  	v6 =	vld [tilespmem:s0+$0x13010]  }
0x4a: {  	v7 =	vld [tilespmem:s0+$0x13020]  }
0x4b: {  	v8 =	vld [tilespmem:s0+$0x13030]  }
0x4c: {  	v10 =	vld [tilespmem:s0+$0x13040]  }
0x4d: {  	v11 =	vld [tilespmem:s0+$0x13050]  }
0x4e: {  	v13 =	vld [tilespmem:s0+$0x13060]  }
0x4f: {  	v14 =	vld [tilespmem:s0+$0xB000];
	v9 =	vcvt.s32.f32 v3  }
0x50: {  	v20 =	vld [tilespmem:s0+$0xB030]  }
0x51: {  	v24 =	vld [tilespmem:s0+$0xB040];
	v5 =	vsub.f32 v9, v5  }
0x52: {  	v26 =	vld [tilespmem:s0+$0xB060];
	v12 =	vmul.u32 $0x2C0, v4;
	v15 =	vcvt.s32.f32 v7;
	v7 =	vmul.u32 $0x2C0, v7  }
0x53: {  	v17 =	vcvt.s32.f32 v8;
	v9 =	vcvt.s32.f32 v4;
	v16 =	vand.u32 $0x7FFFFFFF, v5;
	v5 =	vld [tilespmem:s0+$0xB010]  }
0x54: {  	v22 =	vmul.u32 $0x2C0, v8;
	v8 =	vld [tilespmem:s0+$0xB020];
	v19 =	vcvt.s32.f32 v10;
	v18 =	vshrl.u32 v16, $0x11  }
0x55: {  	s14 =	simm.s32 $0x80;
	v10 =	vmul.u32 $0x2C0, v10;
	v9 =	vsub.f32 v9, v14;
	v14 =	vld [tilespmem:s0+$0xB050];
	s0 =	simm.s32 $0x400;
	v18 =	vsub.s32 $0x207F, v18  }
0x56: {  	s28 =	simm.s32 $0x40;
	s2 =	sand.u32 $0x3800, s14;
	v23 =	vcvt.s32.f32 v11;
	v4 =	vcvt.s32.f32 v6;
	s0 =	sand.u32 $0x400, s0;
	vm0 =	vgt.s32 v18, $0x0  }
0x57: {  	s14 =	sand.u32 $0x380, s28;
	v11 =	vmul.u32 $0x2C0, v11;
	v3 =	vmul.u32 $0x2C0, v3;
	s0 =	sor.u32 s0, s2;
	v18 =	vnsel vm0, $0x0, v18  }
0x58: {  	v25 =	vcvt.s32.f32 v13;
	s0 =	sor.u32 s14, s0;
	v18 =	vmin.u32 v18, $0x2BF;
	v4 =	vsub.f32 v4, v5  }
0x59: {  	v27 =	vld [tilespmem:s0+$0x13040];
	v5 =	vand.u32 $0x7FFFFFFF, v9;
	v9 =	vsub.f32 v15, v8;
	v3 =	vadd.s32 v3, v18  }
0x5a: {  	v13 =	vmul.u32 $0x2C0, v13;
	v6 =	vmul.u32 $0x2C0, v6;
	v31 =	vld [tilespmem:s0+$0x13060];
	v3 =	vshll.u32 v3, $0x4  }
0x5b: {  	v8 =	vand.u32 $0x7FFFFFFF, v4;
	v4 =	vsub.f32 v17, v20;
	v21 =	vand.u32 $0x7FFFFFFF, v9  }
0x5c: {  	v9 =	vsub.f32 v19, v24;
	v15 =	vor.u32 v1, v3;
	v3 =	vshrl.u32 v5, $0x11  }
0x5d: {  	v17 =	vshrl.u32 v8, $0x11;
	v20 =	vand.u32 $0x7FFFFFFF, v4;
	v4 =	vsub.f32 v23, v14  }
0x5e: {  	v14 =	vshrl.u32 v21, $0x11;
	v19 =	vand.u32 $0x7FFFFFFF, v9;
	v9 =	vsub.f32 v25, v26  }
0x5f: {  	v24 =	vsub.s32 $0x207F, v3;
	v36 =	vcvt.s32.f32 v27;
	v39 =	vcvt.s32.f32 v31  }
0x60: {  	v18 =	vshrl.u32 v20, $0x11;
	v23 =	vshrl.u32 v19, $0x11;
	v14 =	vsub.s32 $0x207F, v14  }
0x61: {  	vm0 =	vgt.s32 v24, $0x0;
	v4 =	vand.u32 $0x7FFFFFFF, v4;
	v3 =	vand.u32 $0x7FFFFFFF, v9  }
0x62: {  	v9 =	vsub.s32 $0x207F, v17;
	v18 =	vsub.s32 $0x207F, v18;
	v23 =	vsub.s32 $0x207F, v23  }
0x63: {  	vm2 =	vgt.s32 v14, $0x0;
	v24 =	vnsel vm0, $0x0, v24;
	v25 =	vshrl.u32 v4, $0x11  }
0x64: {  	v17 =	vshrl.u32 v3, $0x11;
	vm1 =	vgt.s32 v9, $0x0;
	vm3 =	vgt.s32 v18, $0x0  }
0x65: {  	vm4 =	vgt.s32 v23, $0x0;
	v14 =	vnsel vm2, $0x0, v14;
	v24 =	vmin.u32 v24, $0x2BF  }
0x66: {  	v34 =	vld [tilespmem:s0+$0xB010];
	v25 =	vsub.s32 $0x207F, v25;
	v17 =	vsub.s32 $0x207F, v17;
	v9 =	vnsel vm1, $0x0, v9  }
0x67: {  	v38 =	vld [tilespmem:s0+$0xB040];
	v18 =	vnsel vm3, $0x0, v18;
	v23 =	vnsel vm4, $0x0, v23;
	v14 =	vmin.u32 v14, $0x2BF  }
0x68: {  	[tilespmem:v15+s4+$0x0] =	vst.idx.add.f32.msk $0xffff, v2;
	v12 =	vadd.s32 v12, v24;
	vm0 =	vgt.s32 v25, $0x0;
	vm5 =	vgt.s32 v17, $0x0  }
0x69: {  	v9 =	vmin.u32 v9, $0x2BF;
	[tilespmem:v15+s20+$0x0] =	vst.idx.add.f32.msk $0xffff, v16;
	v15 =	vmin.u32 v18, $0x2BF;
	v16 =	vmin.u32 v23, $0x2BF  }
0x6a: {  	v24 =	vld [tilespmem:s0+$0x13030];
	v7 =	vadd.s32 v7, v14;
	v12 =	vshll.u32 v12, $0x4;
	v25 =	vnsel vm0, $0x0, v25  }
0x6b: {  	v23 =	vld [tilespmem:s0+$0x13070];
	v17 =	vnsel vm5, $0x0, v17;
	v6 =	vadd.s32 v6, v9;
	v14 =	vadd.s32 v22, v15  }
0x6c: {  	v10 =	vadd.s32 v10, v16;
	v7 =	vshll.u32 v7, $0x4;
	v9 =	vmin.u32 v17, $0x2BF;
	v17 =	vld [tilespmem:s0+$0x13000]  }
0x6d: {  	v15 =	vld [tilespmem:s0+$0xB070];
	v18 =	vmin.u32 v25, $0x2BF;
	v6 =	vshll.u32 v6, $0x4;
	v14 =	vshll.u32 v14, $0x4  }
0x6e: {  	v25 =	vor.u32 v1, v12;
	v28 =	vor.u32 v1, v7;
	v9 =	vadd.s32 v13, v9;
	v13 =	vld [tilespmem:s0+$0x13010]  }
0x6f: {  	v16 =	vld [tilespmem:s0+$0x13020];
	v11 =	vadd.s32 v11, v18;
	v18 =	vshll.u32 v10, $0x4;
	v26 =	vor.u32 v1, v6  }
0x70: {  	v59 =	vld [tilespmem:s0+$0xB060];
	v29 =	vor.u32 v1, v14;
	v22 =	vshll.u32 v11, $0x4;
	v11 =	vcvt.s32.f32 v23  }
0x71: {  	v7 =	vld [tilespmem:s0+$0x13050];
	v30 =	vor.u32 v1, v18;
	v35 =	vcvt.s32.f32 v24;
	v6 =	vcvt.s32.f32 v17  }
0x72: {  	v10 =	vmul.u32 $0x2C0, v17;
	v15 =	vsub.f32 v11, v15;
	v17 =	vor.u32 v1, v22;
	v22 =	vld [tilespmem:s0+$0xB000]  }
0x73: {  	v18 =	vcvt.s32.f32 v13;
	v11 =	vmul.u32 $0x2C0, v13;
	v13 =	vmul.u32 $0x2C0, v24;
	v24 =	vld [tilespmem:s0+$0xB020]  }
0x74: {  	v9 =	vshll.u32 v9, $0x4;
	v23 =	vmul.u32 $0x2C0, v23;
	v32 =	vcvt.s32.f32 v16;
	[tilespmem:v26+s4+$0x0] =	vst.idx.add.f32.msk $0xffff, v2  }
0x75: {  	v12 =	vmul.u32 $0x2C0, v16;
	v33 =	vand.u32 $0x7FFFFFFF, v15;
	v15 =	vmul.u32 $0x2C0, v27;
	v27 =	vld [tilespmem:s0+$0xB030]  }
0x76: {  	v37 =	vcvt.s32.f32 v7;
	[tilespmem:v26+s20+$0x0] =	vst.idx.add.f32.msk $0xffff, v8;
	v26 =	vsub.f32 v39, v59;
	v14 =	vshrl.u32 v33, $0x11  }
0x77: {  	[tilespmem:v25+s4+$0x0] =	vst.idx.add.f32.msk $0xffff, v2;
	v58 =	vsub.f32 v18, v34;
	v18 =	vor.u32 v1, v9;
	v16 =	vsub.s32 $0x207F, v14  }
0x78: {  	[tilespmem:v28+s4+$0x0] =	vst.idx.add.f32.msk $0xffff, v2;
	v14 =	vmul.u32 $0x2C0, v7;
	vm0 =	vgt.s32 v16, $0x0;
	v6 =	vsub.f32 v6, v22  }
0x79: {  	[tilespmem:v28+s20+$0x0] =	vst.idx.add.f32.msk $0xffff, v21;
	v21 =	vand.u32 $0x7FFFFFFF, v26;
	v7 =	vnsel vm0, $0x0, v16;
	v16 =	vmul.u32 $0x2C0, v31  }
0x7a: {  	v22 =	vld [tilespmem:s0+$0xB050];
	v7 =	vmin.u32 v7, $0x2BF;
	v9 =	vand.u32 $0x7FFFFFFF, v6;
	v6 =	vsub.f32 v32, v24  }
0x7b: {  	v24 =	vsub.f32 v35, v27;
	v27 =	vsub.f32 v36, v38;
	v7 =	vadd.s32 v23, v7  }
0x7c: {  	[tilespmem:v25+s20+$0x0] =	vst.idx.add.f32.msk $0xffff, v5;
	v25 =	vshrl.u32 v9, $0x11;
	v23 =	vshll.u32 v7, $0x4;
	v7 =	vand.u32 $0x7FFFFFFF, v58  }
0x7d: {  	v5 =	vand.u32 $0x7FFFFFFF, v6;
	v6 =	vand.u32 $0x7FFFFFFF, v24;
	v8 =	vand.u32 $0x7FFFFFFF, v27  }
0x7e: {  	v28 =	vsub.s32 $0x207F, v25;
	v23 =	vor.u32 v1, v23;
	v31 =	vshrl.u32 v7, $0x11  }
0x7f: {  	v22 =	vsub.f32 v37, v22;
	v24 =	vshrl.u32 v5, $0x11;
	v27 =	vshrl.u32 v6, $0x11  }
0x80: {  	[tilespmem:v29+s4+$0x0] =	vst.idx.add.f32.msk $0xffff, v2;
	v60 =	vshrl.u32 v8, $0x11;
	vm0 =	vgt.s32 v28, $0x0;
	v26 =	vsub.s32 $0x207F, v31  }
0x81: {  	[tilespmem:v29+s20+$0x0] =	vst.idx.add.f32.msk $0xffff, v20;
	v62 =	vsub.s32 $0x207F, v24;
	v24 =	vshrl.u32 v21, $0x11;
	v63 =	vsub.s32 $0x207F, v27  }
0x82: {  	[tilespmem:v30+s4+$0x0] =	vst.idx.add.f32.msk $0xffff, v2;
	v25 =	vsub.s32 $0x207F, v60;
	v20 =	vnsel vm0, $0x0, v28;
	v22 =	vand.u32 $0x7FFFFFFF, v22  }
0x83: {  	[tilespmem:v30+s20+$0x0] =	vst.idx.add.f32.msk $0xffff, v19;
	vm3 =	vgt.s32 v26, $0x0;
	v24 =	vsub.s32 $0x207F, v24;
	vm14 =	vgt.s32 v62, $0x0  }
0x84: {  	vm15 =	vgt.s32 v63, $0x0;
	vm2 =	vgt.s32 v25, $0x0;
	v61 =	vshrl.u32 v22, $0x11;
	[tilespmem:v23+s4+$0x0] =	vst.idx.add.f32.msk $0xffff, v2  }
0x85: {  	vm0 =	vgt.s32 v24, $0x0;
	v27 =	vnsel vm3, $0x0, v26;
	[tilespmem:v23+s20+$0x0] =	vst.idx.add.f32.msk $0xffff, v33;
	v23 =	vsub.s32 $0x207F, v61  }
0x86: {  	s29 =	simm.s32 $0x8;
	s30 =	simm.s32 $0x800;
	s31 =	simm.s32 $0x100;
	[tilespmem:v17+s4+$0x0] =	vst.idx.add.f32.msk $0xffff, v2;
	v26 =	vnsel vm14, $0x0, v62;
	v19 =	vnsel vm15, $0x0, v63;
	vm1 =	vgt.s32 v23, $0x0  }
.LBB2_5:
0x87: {  	s0 =	sand.u32 $0x3800, s31;
	s2 =	sand.u32 $0x400, s30;
	v25 =	vnsel vm2, $0x0, v25;
	v23 =	vnsel vm1, $0x0, v23;
	v24 =	vnsel vm0, $0x0, v24;
	s28 =	sadd.s32 $0x40, s28;
	[tilespmem:v17+s20+$0x0] =	vst.idx.add.f32.msk $0xffff, v4;
	v4 =	vmovc v22  }
0x88: {  	s29 =	sadd.s32 $0x8, s29;
	v17 =	vmin.u32 v20, $0x2BF;
	v20 =	vmin.u32 v27, $0x2BF;
	v22 =	vmin.u32 v26, $0x2BF;
	s0 =	sor.u32 s2, s0;
	s2 =	sand.u32 $0x380, s28;
	[tilespmem:v18+s4+$0x0] =	vst.idx.add.f32.msk $0xffff, v2  }
0x89: {  	v19 =	vmin.u32 v19, $0x2BF;
	p0 =	slt.u32 s29, $0x3F8;
	v25 =	vmin.u32 v25, $0x2BF;
	v23 =	vmin.u32 v23, $0x2BF;
	s2 =	sor.u32 s2, s0;
	[tilespmem:v18+s20+$0x0] =	vst.idx.add.f32.msk $0xffff, v3;
	v3 =	vmovc v21  }
0x8a: {  	v10 =	vadd.s32 v10, v17;
	v11 =	vadd.s32 v11, v20;
	v17 =	vmin.u32 v24, $0x2BF;
	v18 =	vld [tilespmem:s2+$0x13070]  }
0x8b: {  	v12 =	vadd.s32 v12, v22;
	v13 =	vadd.s32 v13, v19;
	v15 =	vadd.s32 v15, v25;
	v20 =	vld [tilespmem:s2+$0x13000]  }
0x8c: {  	v10 =	vshll.u32 v10, $0x4;
	v14 =	vadd.s32 v14, v23;
	v16 =	vadd.s32 v16, v17;
	v19 =	vld [tilespmem:s2+$0xB070]  }
0x8d: {  	v11 =	vshll.u32 v11, $0x4;
	v12 =	vshll.u32 v12, $0x4;
	v13 =	vshll.u32 v13, $0x4;
	v17 =	vld [tilespmem:s2+$0x13010]  }
0x8e: {  	v15 =	vshll.u32 v15, $0x4;
	v14 =	vshll.u32 v14, $0x4;
	v22 =	vshll.u32 v16, $0x4;
	v21 =	vld [tilespmem:s2+$0x13020]  }
0x8f: {  	v24 =	vor.u32 v1, v10;
	v25 =	vor.u32 v1, v11;
	v16 =	vld [tilespmem:s2+$0x13030];
	v23 =	vcvt.s32.f32 v18  }
0x90: {  	v27 =	vor.u32 v1, v12;
	v26 =	vcvt.s32.f32 v20;
	v10 =	vmul.u32 $0x2C0, v20;
	v20 =	vld [tilespmem:s2+$0x13040]  }
0x91: {  	v29 =	vor.u32 v1, v13;
	v30 =	vor.u32 v1, v15;
	v28 =	vld [tilespmem:s2+$0x13050];
	v19 =	vsub.f32 v23, v19  }
0x92: {  	v23 =	vcvt.s32.f32 v17;
	v11 =	vmul.u32 $0x2C0, v17;
	v31 =	vld [tilespmem:s2+$0x13060];
	v17 =	vor.u32 v1, v14  }
0x93: {  	v32 =	vld [tilespmem:s2+$0xB000];
	v33 =	vcvt.s32.f32 v21;
	v12 =	vmul.u32 $0x2C0, v21;
	v19 =	vand.u32 $0x7FFFFFFF, v19  }
0x94: {  	v21 =	vld [tilespmem:s2+$0xB010];
	v34 =	vcvt.s32.f32 v16;
	v13 =	vmul.u32 $0x2C0, v16;
	v14 =	vshrl.u32 v19, $0x11  }
0x95: {  	v35 =	vld [tilespmem:s2+$0xB020];
	v36 =	vcvt.s32.f32 v20;
	v15 =	vmul.u32 $0x2C0, v20;
	v16 =	vsub.s32 $0x207F, v14  }
0x96: {  	v20 =	vld [tilespmem:s2+$0xB030];
	v37 =	vcvt.s32.f32 v28;
	v14 =	vmul.u32 $0x2C0, v28;
	vm0 =	vgt.s32 v16, $0x0  }
0x97: {  	v18 =	vmul.u32 $0x2C0, v18;
	v28 =	vld [tilespmem:s2+$0xB040];
	v38 =	vcvt.s32.f32 v31;
	v39 =	vnsel vm0, $0x0, v16  }
0x98: {  	v16 =	vmul.u32 $0x2C0, v31;
	v26 =	vsub.f32 v26, v32;
	v32 =	vld [tilespmem:s2+$0xB050];
	v31 =	vmin.u32 v39, $0x2BF  }
0x99: {  	v21 =	vsub.f32 v23, v21;
	v23 =	vld [tilespmem:s2+$0xB060];
	v31 =	vadd.s32 v18, v31;
	v18 =	vor.u32 v1, v22  }
0x9a: {  	v22 =	vand.u32 $0x7FFFFFFF, v26;
	v26 =	vsub.f32 v33, v35;
	v31 =	vshll.u32 v31, $0x4;
	[tilespmem:v24+s4+$0x0] =	vst.idx.add.f32.msk $0xffff, v2  }
0x9b: {  	v21 =	vand.u32 $0x7FFFFFFF, v21;
	v20 =	vsub.f32 v34, v20;
	v31 =	vor.u32 v1, v31;
	[tilespmem:v24+s20+$0x0] =	vst.idx.add.f32.msk $0xffff, v9  }
0x9c: {  	v24 =	vshrl.u32 v22, $0x11;
	v9 =	vmovc v22;
	v26 =	vand.u32 $0x7FFFFFFF, v26;
	v28 =	vsub.f32 v36, v28;
	[tilespmem:v25+s4+$0x0] =	vst.idx.add.f32.msk $0xffff, v2  }
0x9d: {  	v33 =	vshrl.u32 v21, $0x11;
	v20 =	vand.u32 $0x7FFFFFFF, v20;
	v22 =	vsub.f32 v37, v32;
	[tilespmem:v25+s20+$0x0] =	vst.idx.add.f32.msk $0xffff, v7;
	v7 =	vmovc v21  }
0x9e: {  	v25 =	vshrl.u32 v26, $0x11;
	v28 =	vand.u32 $0x7FFFFFFF, v28;
	v21 =	vsub.f32 v38, v23;
	[tilespmem:v27+s4+$0x0] =	vst.idx.add.f32.msk $0xffff, v2  }
0x9f: {  	v23 =	vshrl.u32 v20, $0x11;
	v32 =	vshrl.u32 v28, $0x11;
	v22 =	vand.u32 $0x7FFFFFFF, v22;
	[tilespmem:v27+s20+$0x0] =	vst.idx.add.f32.msk $0xffff, v5;
	v5 =	vmovc v26  }
0xa0: {  	v26 =	vsub.s32 $0x207F, v24;
	v24 =	vshrl.u32 v22, $0x11;
	v21 =	vand.u32 $0x7FFFFFFF, v21;
	[tilespmem:v31+s4+$0x0] =	vst.idx.add.f32.msk $0xffff, v2  }
0xa1: {  	v27 =	vsub.s32 $0x207F, v33;
	v33 =	vsub.s32 $0x207F, v25;
	v34 =	vshrl.u32 v21, $0x11;
	[tilespmem:v31+s20+$0x0] =	vst.idx.add.f32.msk $0xffff, v19  }
.Ltmp3:
0xa2: {  	v25 =	vsub.s32 $0x207F, v32;
	v19 =	vsub.s32 $0x207F, v23;
	v23 =	vsub.s32 $0x207F, v24;
	[tilespmem:v29+s4+$0x0] =	vst.idx.add.f32.msk $0xffff, v2;
	(pc) =	sbr.rel @p0 .LBB2_5-.Ltmp3, $4  }
0xa3: {  	vm0 =	vgt.s32 v26, $0x0;
	vm3 =	vgt.s32 v27, $0x0;
	v24 =	vsub.s32 $0x207F, v34;
	[tilespmem:v29+s20+$0x0] =	vst.idx.add.f32.msk $0xffff, v6;
	v6 =	vmovc v20  }
0xa4: {  	vm4 =	vgt.s32 v33, $0x0;
	vm2 =	vgt.s32 v25, $0x0;
	vm5 =	vgt.s32 v19, $0x0;
	[tilespmem:v30+s4+$0x0] =	vst.idx.add.f32.msk $0xffff, v2  }
0xa5: {  	vm1 =	vgt.s32 v23, $0x0;
	v20 =	vnsel vm0, $0x0, v26;
	vm0 =	vgt.s32 v24, $0x0;
	[tilespmem:v30+s20+$0x0] =	vst.idx.add.f32.msk $0xffff, v8;
	v8 =	vmovc v28  }
0xa6: {  	s30 =	sadd.s32 $0x400, s30;
	s31 =	sadd.s32 $0x80, s31;
	v27 =	vnsel vm3, $0x0, v27;
	v26 =	vnsel vm4, $0x0, v33;
	v19 =	vnsel vm5, $0x0, v19;
	[tilespmem:v17+s4+$0x0] =	vst.idx.add.f32.msk $0xffff, v2  }
0xa7: {  	v20 =	vmin.u32 v20, $0x2BF  }
0xa8: {  	v10 =	vadd.s32 v10, v20  }
0xa9: {  	v20 =	vmin.u32 v27, $0x2BF;
	v10 =	vshll.u32 v10, $0x4  }
0xaa: {  	v11 =	vadd.s32 v11, v20;
	v10 =	vor.u32 v1, v10  }
0xab: {  	v20 =	vmin.u32 v26, $0x2BF;
	v11 =	vshll.u32 v11, $0x4  }
0xac: {  	[tilespmem:v17+s20+$0x0] =	vst.idx.add.f32.msk $0xffff, v4;
	v4 =	vadd.s32 v12, v20;
	v11 =	vor.u32 v1, v11  }
0xad: {  	[tilespmem:v18+s4+$0x0] =	vst.idx.add.f32.msk $0xffff, v2;
	v12 =	vmin.u32 v19, $0x2BF;
	v4 =	vshll.u32 v4, $0x4  }
0xae: {  	v17 =	vnsel vm2, $0x0, v25;
	[tilespmem:v18+s20+$0x0] =	vst.idx.add.f32.msk $0xffff, v3;
	v3 =	vadd.s32 v13, v12;
	v4 =	vor.u32 v1, v4  }
0xaf: {  	v12 =	vmin.u32 v17, $0x2BF;
	v3 =	vshll.u32 v3, $0x4;
	[tilespmem:v10+s4+$0x0] =	vst.idx.add.f32.msk $0xffff, v2  }
0xb0: {  	v13 =	vnsel vm1, $0x0, v23;
	v12 =	vadd.s32 v15, v12;
	v3 =	vor.u32 v1, v3;
	[tilespmem:v10+s20+$0x0] =	vst.idx.add.f32.msk $0xffff, v9  }
0xb1: {  	v9 =	vmin.u32 v13, $0x2BF;
	v10 =	vshll.u32 v12, $0x4;
	[tilespmem:v11+s4+$0x0] =	vst.idx.add.f32.msk $0xffff, v2  }
0xb2: {  	v12 =	vnsel vm0, $0x0, v24;
	v9 =	vadd.s32 v14, v9;
	v10 =	vor.u32 v1, v10;
	[tilespmem:v11+s20+$0x0] =	vst.idx.add.f32.msk $0xffff, v7  }
0xb3: {  	v7 =	vmin.u32 v12, $0x2BF;
	[tilespmem:v4+s4+$0x0] =	vst.idx.add.f32.msk $0xffff, v2;
	v9 =	vshll.u32 v9, $0x4  }
0xb4: {  	v7 =	vadd.s32 v16, v7;
	[tilespmem:v4+s20+$0x0] =	vst.idx.add.f32.msk $0xffff, v5;
	v9 =	vor.u32 v1, v9  }
0xb5: {  	[tilespmem:v3+s4+$0x0] =	vst.idx.add.f32.msk $0xffff, v2;
	v4 =	vshll.u32 v7, $0x4  }
0xb6: {  	[tilespmem:v3+s20+$0x0] =	vst.idx.add.f32.msk $0xffff, v6;
	v4 =	vor.u32 v1, v4  }
0xb7: {  	[tilespmem:v10+s4+$0x0] =	vst.idx.add.f32.msk $0xffff, v2  }
0xb8: {  	s28 =	sshll.u32 s26, $0x3;
	p0 =	seq.s32 s26, $0x3;
	[tilespmem:v10+s20+$0x0] =	vst.idx.add.f32.msk $0xffff, v8  }
0xb9: {  	s0 =	sadd.s32 @!p0 s28, s9;
	[tilespmem:v9+s4+$0x0] =	vst.idx.add.f32.msk $0xffff, v2  }
0xba: {  	s0 =	sshll.u32 @!p0 s0, $0x9;
	[tilespmem:v9+s20+$0x0] =	vst.idx.add.f32.msk $0xffff, v22  }
0xbb: {  	s0 =	sand.u32 @!p0 $0xFFFF000, s0;
	[tilespmem:v4+s4+$0x0] =	vst.idx.add.f32.msk $0xffff, v2  }
0xbc: {  	s29 =	simm.s32 @!p0 $0x0;
	s30 =	simm.s32 @!p0 $0xB000;
	s2 =	sadd.s32 @!p0 s1, s0;
	[tilespmem:v4+s20+$0x0] =	vst.idx.add.f32.msk $0xffff, v21  }
0xbd: {  	[tilespmem:s30], [sflag:$0x1] =	stream.linear.gather @!p0 [hbm4b:s2+s29], $0x4000, $0x38;
	[tilespmem:$0x1B000] =	vst v63  }
0xbe: {  	s0 =	sadd.s32 @!p0 s3, s0;
	s2 =	simm.s32 @!p0 $0x13000  }
0xbf: {  	[tilespmem:s2], [sflag:$0x3] =	stream.linear.gather @!p0 [hbm4b:s0+s29], $0x4000, $0x38;
	[tilespmem:$0x1B000] =	vst v63  }
0xc0: {  	_ =	swait.ge [sflag:s21], $0x4000  }
0xc1: {  	[sflag:s21] =	ssyncset.done $0x0  }
0xc2: {  	s0 =	simm.s32 $0x0;
	[sflag:s21] =	ssyncadd.s32 $0xFFFFC000  }
0xc3: {  	s14 =	sand.u32 $0x3800, s0;
	s29 =	sand.u32 $0x400, s0;
	_ =	swait.ge [sflag:s22], $0x4000  }
0xc4: {  	s0 =	sand.u32 $0x380, s0;
	s2 =	sor.u32 s29, s14;
	[sflag:s22] =	ssyncset.done $0x0  }
0xc5: {  	s0 =	sor.u32 s0, s2;
	[sflag:s22] =	ssyncadd.s32 $0xFFFFC000  }
0xc6: {  	v3 =	vld [tilespmem:s0+$0x17070]  }
0xc7: {  	v4 =	vld [tilespmem:s0+$0x17000]  }
0xc8: {  	v5 =	vld [tilespmem:s0+$0xF070]  }
0xc9: {  	v6 =	vld [tilespmem:s0+$0x17010]  }
0xca: {  	v7 =	vld [tilespmem:s0+$0x17020]  }
0xcb: {  	v8 =	vld [tilespmem:s0+$0x17030]  }
0xcc: {  	v10 =	vld [tilespmem:s0+$0x17040]  }
0xcd: {  	v11 =	vld [tilespmem:s0+$0x17050]  }
0xce: {  	v13 =	vld [tilespmem:s0+$0x17060]  }
0xcf: {  	v14 =	vld [tilespmem:s0+$0xF000];
	v9 =	vcvt.s32.f32 v3  }
0xd0: {  	v20 =	vld [tilespmem:s0+$0xF030]  }
0xd1: {  	v24 =	vld [tilespmem:s0+$0xF040];
	v5 =	vsub.f32 v9, v5  }
0xd2: {  	v26 =	vld [tilespmem:s0+$0xF060];
	v12 =	vmul.u32 $0x2C0, v4;
	v15 =	vcvt.s32.f32 v7;
	v7 =	vmul.u32 $0x2C0, v7  }
0xd3: {  	v17 =	vcvt.s32.f32 v8;
	v9 =	vcvt.s32.f32 v4;
	v16 =	vand.u32 $0x7FFFFFFF, v5;
	v5 =	vld [tilespmem:s0+$0xF010]  }
0xd4: {  	v22 =	vmul.u32 $0x2C0, v8;
	v8 =	vld [tilespmem:s0+$0xF020];
	v19 =	vcvt.s32.f32 v10;
	v18 =	vshrl.u32 v16, $0x11  }
0xd5: {  	s14 =	simm.s32 $0x80;
	v10 =	vmul.u32 $0x2C0, v10;
	v9 =	vsub.f32 v9, v14;
	v14 =	vld [tilespmem:s0+$0xF050];
	s0 =	simm.s32 $0x400;
	v18 =	vsub.s32 $0x207F, v18  }
0xd6: {  	s29 =	simm.s32 $0x40;
	s2 =	sand.u32 $0x3800, s14;
	v23 =	vcvt.s32.f32 v11;
	v4 =	vcvt.s32.f32 v6;
	s0 =	sand.u32 $0x400, s0;
	vm0 =	vgt.s32 v18, $0x0  }
0xd7: {  	s14 =	sand.u32 $0x380, s29;
	v11 =	vmul.u32 $0x2C0, v11;
	v3 =	vmul.u32 $0x2C0, v3;
	s0 =	sor.u32 s0, s2;
	v18 =	vnsel vm0, $0x0, v18  }
0xd8: {  	v25 =	vcvt.s32.f32 v13;
	s0 =	sor.u32 s14, s0;
	v18 =	vmin.u32 v18, $0x2BF;
	v4 =	vsub.f32 v4, v5  }
0xd9: {  	v27 =	vld [tilespmem:s0+$0x17040];
	v5 =	vand.u32 $0x7FFFFFFF, v9;
	v9 =	vsub.f32 v15, v8;
	v3 =	vadd.s32 v3, v18  }
0xda: {  	v13 =	vmul.u32 $0x2C0, v13;
	v6 =	vmul.u32 $0x2C0, v6;
	v31 =	vld [tilespmem:s0+$0x17060];
	v3 =	vshll.u32 v3, $0x4  }
0xdb: {  	v8 =	vand.u32 $0x7FFFFFFF, v4;
	v4 =	vsub.f32 v17, v20;
	v21 =	vand.u32 $0x7FFFFFFF, v9  }
0xdc: {  	v9 =	vsub.f32 v19, v24;
	v15 =	vor.u32 v1, v3;
	v3 =	vshrl.u32 v5, $0x11  }
0xdd: {  	v17 =	vshrl.u32 v8, $0x11;
	v20 =	vand.u32 $0x7FFFFFFF, v4;
	v4 =	vsub.f32 v23, v14  }
0xde: {  	v14 =	vshrl.u32 v21, $0x11;
	v19 =	vand.u32 $0x7FFFFFFF, v9;
	v9 =	vsub.f32 v25, v26  }
0xdf: {  	v24 =	vsub.s32 $0x207F, v3;
	v36 =	vcvt.s32.f32 v27;
	v39 =	vcvt.s32.f32 v31  }
0xe0: {  	v18 =	vshrl.u32 v20, $0x11;
	v23 =	vshrl.u32 v19, $0x11;
	v14 =	vsub.s32 $0x207F, v14  }
0xe1: {  	vm0 =	vgt.s32 v24, $0x0;
	v4 =	vand.u32 $0x7FFFFFFF, v4;
	v3 =	vand.u32 $0x7FFFFFFF, v9  }
0xe2: {  	v9 =	vsub.s32 $0x207F, v17;
	v18 =	vsub.s32 $0x207F, v18;
	v23 =	vsub.s32 $0x207F, v23  }
0xe3: {  	vm2 =	vgt.s32 v14, $0x0;
	v24 =	vnsel vm0, $0x0, v24;
	v25 =	vshrl.u32 v4, $0x11  }
0xe4: {  	v17 =	vshrl.u32 v3, $0x11;
	vm1 =	vgt.s32 v9, $0x0;
	vm3 =	vgt.s32 v18, $0x0  }
0xe5: {  	vm4 =	vgt.s32 v23, $0x0;
	v14 =	vnsel vm2, $0x0, v14;
	v24 =	vmin.u32 v24, $0x2BF  }
0xe6: {  	v34 =	vld [tilespmem:s0+$0xF010];
	v25 =	vsub.s32 $0x207F, v25;
	v17 =	vsub.s32 $0x207F, v17;
	v9 =	vnsel vm1, $0x0, v9  }
0xe7: {  	v38 =	vld [tilespmem:s0+$0xF040];
	v18 =	vnsel vm3, $0x0, v18;
	v23 =	vnsel vm4, $0x0, v23;
	v14 =	vmin.u32 v14, $0x2BF  }
0xe8: {  	[tilespmem:v15+s4+$0x0] =	vst.idx.add.f32.msk $0xffff, v2;
	v12 =	vadd.s32 v12, v24;
	vm0 =	vgt.s32 v25, $0x0;
	vm5 =	vgt.s32 v17, $0x0  }
0xe9: {  	v9 =	vmin.u32 v9, $0x2BF;
	[tilespmem:v15+s20+$0x0] =	vst.idx.add.f32.msk $0xffff, v16;
	v15 =	vmin.u32 v18, $0x2BF;
	v16 =	vmin.u32 v23, $0x2BF  }
0xea: {  	v24 =	vld [tilespmem:s0+$0x17030];
	v7 =	vadd.s32 v7, v14;
	v12 =	vshll.u32 v12, $0x4;
	v25 =	vnsel vm0, $0x0, v25  }
0xeb: {  	v23 =	vld [tilespmem:s0+$0x17070];
	v17 =	vnsel vm5, $0x0, v17;
	v6 =	vadd.s32 v6, v9;
	v14 =	vadd.s32 v22, v15  }
0xec: {  	v10 =	vadd.s32 v10, v16;
	v7 =	vshll.u32 v7, $0x4;
	v9 =	vmin.u32 v17, $0x2BF;
	v17 =	vld [tilespmem:s0+$0x17000]  }
0xed: {  	v15 =	vld [tilespmem:s0+$0xF070];
	v18 =	vmin.u32 v25, $0x2BF;
	v6 =	vshll.u32 v6, $0x4;
	v14 =	vshll.u32 v14, $0x4  }
0xee: {  	v25 =	vor.u32 v1, v12;
	v28 =	vor.u32 v1, v7;
	v9 =	vadd.s32 v13, v9;
	v13 =	vld [tilespmem:s0+$0x17010]  }
0xef: {  	v16 =	vld [tilespmem:s0+$0x17020];
	v11 =	vadd.s32 v11, v18;
	v18 =	vshll.u32 v10, $0x4;
	v26 =	vor.u32 v1, v6  }
0xf0: {  	v59 =	vld [tilespmem:s0+$0xF060];
	v29 =	vor.u32 v1, v14;
	v22 =	vshll.u32 v11, $0x4;
	v11 =	vcvt.s32.f32 v23  }
0xf1: {  	v7 =	vld [tilespmem:s0+$0x17050];
	v30 =	vor.u32 v1, v18;
	v35 =	vcvt.s32.f32 v24;
	v6 =	vcvt.s32.f32 v17  }
0xf2: {  	v10 =	vmul.u32 $0x2C0, v17;
	v15 =	vsub.f32 v11, v15;
	v17 =	vor.u32 v1, v22;
	v22 =	vld [tilespmem:s0+$0xF000]  }
0xf3: {  	v18 =	vcvt.s32.f32 v13;
	v11 =	vmul.u32 $0x2C0, v13;
	v13 =	vmul.u32 $0x2C0, v24;
	v24 =	vld [tilespmem:s0+$0xF020]  }
0xf4: {  	v9 =	vshll.u32 v9, $0x4;
	v23 =	vmul.u32 $0x2C0, v23;
	v32 =	vcvt.s32.f32 v16;
	[tilespmem:v26+s4+$0x0] =	vst.idx.add.f32.msk $0xffff, v2  }
0xf5: {  	v12 =	vmul.u32 $0x2C0, v16;
	v33 =	vand.u32 $0x7FFFFFFF, v15;
	v15 =	vmul.u32 $0x2C0, v27;
	v27 =	vld [tilespmem:s0+$0xF030]  }
0xf6: {  	v37 =	vcvt.s32.f32 v7;
	[tilespmem:v26+s20+$0x0] =	vst.idx.add.f32.msk $0xffff, v8;
	v26 =	vsub.f32 v39, v59;
	v14 =	vshrl.u32 v33, $0x11  }
0xf7: {  	[tilespmem:v25+s4+$0x0] =	vst.idx.add.f32.msk $0xffff, v2;
	v58 =	vsub.f32 v18, v34;
	v18 =	vor.u32 v1, v9;
	v16 =	vsub.s32 $0x207F, v14  }
0xf8: {  	[tilespmem:v28+s4+$0x0] =	vst.idx.add.f32.msk $0xffff, v2;
	v14 =	vmul.u32 $0x2C0, v7;
	vm0 =	vgt.s32 v16, $0x0;
	v6 =	vsub.f32 v6, v22  }
0xf9: {  	[tilespmem:v28+s20+$0x0] =	vst.idx.add.f32.msk $0xffff, v21;
	v21 =	vand.u32 $0x7FFFFFFF, v26;
	v7 =	vnsel vm0, $0x0, v16;
	v16 =	vmul.u32 $0x2C0, v31  }
0xfa: {  	v22 =	vld [tilespmem:s0+$0xF050];
	v7 =	vmin.u32 v7, $0x2BF;
	v9 =	vand.u32 $0x7FFFFFFF, v6;
	v6 =	vsub.f32 v32, v24  }
0xfb: {  	v24 =	vsub.f32 v35, v27;
	v27 =	vsub.f32 v36, v38;
	v7 =	vadd.s32 v23, v7  }
0xfc: {  	[tilespmem:v25+s20+$0x0] =	vst.idx.add.f32.msk $0xffff, v5;
	v25 =	vshrl.u32 v9, $0x11;
	v23 =	vshll.u32 v7, $0x4;
	v7 =	vand.u32 $0x7FFFFFFF, v58  }
0xfd: {  	v5 =	vand.u32 $0x7FFFFFFF, v6;
	v6 =	vand.u32 $0x7FFFFFFF, v24;
	v8 =	vand.u32 $0x7FFFFFFF, v27  }
0xfe: {  	v28 =	vsub.s32 $0x207F, v25;
	v23 =	vor.u32 v1, v23;
	v31 =	vshrl.u32 v7, $0x11  }
0xff: {  	v22 =	vsub.f32 v37, v22;
	v24 =	vshrl.u32 v5, $0x11;
	v27 =	vshrl.u32 v6, $0x11  }
0x100: {  	[tilespmem:v29+s4+$0x0] =	vst.idx.add.f32.msk $0xffff, v2;
	v60 =	vshrl.u32 v8, $0x11;
	vm0 =	vgt.s32 v28, $0x0;
	v26 =	vsub.s32 $0x207F, v31  }
0x101: {  	[tilespmem:v29+s20+$0x0] =	vst.idx.add.f32.msk $0xffff, v20;
	v62 =	vsub.s32 $0x207F, v24;
	v24 =	vshrl.u32 v21, $0x11;
	v63 =	vsub.s32 $0x207F, v27  }
0x102: {  	[tilespmem:v30+s4+$0x0] =	vst.idx.add.f32.msk $0xffff, v2;
	v25 =	vsub.s32 $0x207F, v60;
	v20 =	vnsel vm0, $0x0, v28;
	v22 =	vand.u32 $0x7FFFFFFF, v22  }
0x103: {  	[tilespmem:v30+s20+$0x0] =	vst.idx.add.f32.msk $0xffff, v19;
	vm3 =	vgt.s32 v26, $0x0;
	v24 =	vsub.s32 $0x207F, v24;
	vm14 =	vgt.s32 v62, $0x0  }
0x104: {  	vm15 =	vgt.s32 v63, $0x0;
	vm2 =	vgt.s32 v25, $0x0;
	v61 =	vshrl.u32 v22, $0x11;
	[tilespmem:v23+s4+$0x0] =	vst.idx.add.f32.msk $0xffff, v2  }
0x105: {  	vm0 =	vgt.s32 v24, $0x0;
	v27 =	vnsel vm3, $0x0, v26;
	[tilespmem:v23+s20+$0x0] =	vst.idx.add.f32.msk $0xffff, v33;
	v23 =	vsub.s32 $0x207F, v61  }
0x106: {  	s31 =	simm.s32 $0x800;
	s30 =	simm.s32 $0x8;
	s2 =	simm.s32 $0x100;
	[tilespmem:v17+s4+$0x0] =	vst.idx.add.f32.msk $0xffff, v2;
	v26 =	vnsel vm14, $0x0, v62;
	v19 =	vnsel vm15, $0x0, v63;
	vm1 =	vgt.s32 v23, $0x0  }
.LBB2_7:
0x107: {  	s0 =	sand.u32 $0x3800, s2;
	s14 =	sand.u32 $0x400, s31;
	v25 =	vnsel vm2, $0x0, v25;
	v23 =	vnsel vm1, $0x0, v23;
	v24 =	vnsel vm0, $0x0, v24;
	s29 =	sadd.s32 $0x40, s29;
	[tilespmem:v17+s20+$0x0] =	vst.idx.add.f32.msk $0xffff, v4;
	v4 =	vmovc v22  }
0x108: {  	s30 =	sadd.s32 $0x8, s30;
	v17 =	vmin.u32 v20, $0x2BF;
	v20 =	vmin.u32 v27, $0x2BF;
	v22 =	vmin.u32 v26, $0x2BF;
	s0 =	sor.u32 s14, s0;
	s14 =	sand.u32 $0x380, s29;
	[tilespmem:v18+s4+$0x0] =	vst.idx.add.f32.msk $0xffff, v2  }
0x109: {  	v19 =	vmin.u32 v19, $0x2BF;
	p1 =	slt.u32 s30, $0x3F8;
	v25 =	vmin.u32 v25, $0x2BF;
	v23 =	vmin.u32 v23, $0x2BF;
	s0 =	sor.u32 s14, s0;
	[tilespmem:v18+s20+$0x0] =	vst.idx.add.f32.msk $0xffff, v3;
	v3 =	vmovc v21  }
0x10a: {  	v10 =	vadd.s32 v10, v17;
	v11 =	vadd.s32 v11, v20;
	v17 =	vmin.u32 v24, $0x2BF;
	v18 =	vld [tilespmem:s0+$0x17070]  }
0x10b: {  	v12 =	vadd.s32 v12, v22;
	v13 =	vadd.s32 v13, v19;
	v15 =	vadd.s32 v15, v25;
	v20 =	vld [tilespmem:s0+$0x17000]  }
0x10c: {  	v10 =	vshll.u32 v10, $0x4;
	v14 =	vadd.s32 v14, v23;
	v16 =	vadd.s32 v16, v17;
	v19 =	vld [tilespmem:s0+$0xF070]  }
0x10d: {  	v11 =	vshll.u32 v11, $0x4;
	v12 =	vshll.u32 v12, $0x4;
	v13 =	vshll.u32 v13, $0x4;
	v17 =	vld [tilespmem:s0+$0x17010]  }
0x10e: {  	v15 =	vshll.u32 v15, $0x4;
	v14 =	vshll.u32 v14, $0x4;
	v22 =	vshll.u32 v16, $0x4;
	v21 =	vld [tilespmem:s0+$0x17020]  }
0x10f: {  	v24 =	vor.u32 v1, v10;
	v25 =	vor.u32 v1, v11;
	v16 =	vld [tilespmem:s0+$0x17030];
	v23 =	vcvt.s32.f32 v18  }
0x110: {  	v27 =	vor.u32 v1, v12;
	v26 =	vcvt.s32.f32 v20;
	v10 =	vmul.u32 $0x2C0, v20;
	v20 =	vld [tilespmem:s0+$0x17040]  }
0x111: {  	v29 =	vor.u32 v1, v13;
	v30 =	vor.u32 v1, v15;
	v28 =	vld [tilespmem:s0+$0x17050];
	v19 =	vsub.f32 v23, v19  }
0x112: {  	v23 =	vcvt.s32.f32 v17;
	v11 =	vmul.u32 $0x2C0, v17;
	v31 =	vld [tilespmem:s0+$0x17060];
	v17 =	vor.u32 v1, v14  }
0x113: {  	v32 =	vld [tilespmem:s0+$0xF000];
	v33 =	vcvt.s32.f32 v21;
	v12 =	vmul.u32 $0x2C0, v21;
	v19 =	vand.u32 $0x7FFFFFFF, v19  }
0x114: {  	v21 =	vld [tilespmem:s0+$0xF010];
	v34 =	vcvt.s32.f32 v16;
	v13 =	vmul.u32 $0x2C0, v16;
	v14 =	vshrl.u32 v19, $0x11  }
0x115: {  	v35 =	vld [tilespmem:s0+$0xF020];
	v36 =	vcvt.s32.f32 v20;
	v15 =	vmul.u32 $0x2C0, v20;
	v16 =	vsub.s32 $0x207F, v14  }
0x116: {  	v20 =	vld [tilespmem:s0+$0xF030];
	v37 =	vcvt.s32.f32 v28;
	v14 =	vmul.u32 $0x2C0, v28;
	vm0 =	vgt.s32 v16, $0x0  }
0x117: {  	v18 =	vmul.u32 $0x2C0, v18;
	v28 =	vld [tilespmem:s0+$0xF040];
	v38 =	vcvt.s32.f32 v31;
	v39 =	vnsel vm0, $0x0, v16  }
0x118: {  	v16 =	vmul.u32 $0x2C0, v31;
	v26 =	vsub.f32 v26, v32;
	v32 =	vld [tilespmem:s0+$0xF050];
	v31 =	vmin.u32 v39, $0x2BF  }
0x119: {  	v21 =	vsub.f32 v23, v21;
	v23 =	vld [tilespmem:s0+$0xF060];
	v31 =	vadd.s32 v18, v31;
	v18 =	vor.u32 v1, v22  }
0x11a: {  	v22 =	vand.u32 $0x7FFFFFFF, v26;
	v26 =	vsub.f32 v33, v35;
	v31 =	vshll.u32 v31, $0x4;
	[tilespmem:v24+s4+$0x0] =	vst.idx.add.f32.msk $0xffff, v2  }
0x11b: {  	v21 =	vand.u32 $0x7FFFFFFF, v21;
	v20 =	vsub.f32 v34, v20;
	v31 =	vor.u32 v1, v31;
	[tilespmem:v24+s20+$0x0] =	vst.idx.add.f32.msk $0xffff, v9  }
0x11c: {  	v24 =	vshrl.u32 v22, $0x11;
	v9 =	vmovc v22;
	v26 =	vand.u32 $0x7FFFFFFF, v26;
	v28 =	vsub.f32 v36, v28;
	[tilespmem:v25+s4+$0x0] =	vst.idx.add.f32.msk $0xffff, v2  }
0x11d: {  	v33 =	vshrl.u32 v21, $0x11;
	v20 =	vand.u32 $0x7FFFFFFF, v20;
	v22 =	vsub.f32 v37, v32;
	[tilespmem:v25+s20+$0x0] =	vst.idx.add.f32.msk $0xffff, v7;
	v7 =	vmovc v21  }
0x11e: {  	v25 =	vshrl.u32 v26, $0x11;
	v28 =	vand.u32 $0x7FFFFFFF, v28;
	v21 =	vsub.f32 v38, v23;
	[tilespmem:v27+s4+$0x0] =	vst.idx.add.f32.msk $0xffff, v2  }
0x11f: {  	v23 =	vshrl.u32 v20, $0x11;
	v32 =	vshrl.u32 v28, $0x11;
	v22 =	vand.u32 $0x7FFFFFFF, v22;
	[tilespmem:v27+s20+$0x0] =	vst.idx.add.f32.msk $0xffff, v5;
	v5 =	vmovc v26  }
0x120: {  	v26 =	vsub.s32 $0x207F, v24;
	v24 =	vshrl.u32 v22, $0x11;
	v21 =	vand.u32 $0x7FFFFFFF, v21;
	[tilespmem:v31+s4+$0x0] =	vst.idx.add.f32.msk $0xffff, v2  }
0x121: {  	v27 =	vsub.s32 $0x207F, v33;
	v33 =	vsub.s32 $0x207F, v25;
	v34 =	vshrl.u32 v21, $0x11;
	[tilespmem:v31+s20+$0x0] =	vst.idx.add.f32.msk $0xffff, v19  }
.Ltmp4:
0x122: {  	v25 =	vsub.s32 $0x207F, v32;
	v19 =	vsub.s32 $0x207F, v23;
	v23 =	vsub.s32 $0x207F, v24;
	[tilespmem:v29+s4+$0x0] =	vst.idx.add.f32.msk $0xffff, v2;
	(pc) =	sbr.rel @p1 .LBB2_7-.Ltmp4, $4  }
0x123: {  	vm0 =	vgt.s32 v26, $0x0;
	vm3 =	vgt.s32 v27, $0x0;
	v24 =	vsub.s32 $0x207F, v34;
	[tilespmem:v29+s20+$0x0] =	vst.idx.add.f32.msk $0xffff, v6;
	v6 =	vmovc v20  }
0x124: {  	vm4 =	vgt.s32 v33, $0x0;
	vm2 =	vgt.s32 v25, $0x0;
	vm5 =	vgt.s32 v19, $0x0;
	[tilespmem:v30+s4+$0x0] =	vst.idx.add.f32.msk $0xffff, v2  }
0x125: {  	vm1 =	vgt.s32 v23, $0x0;
	v20 =	vnsel vm0, $0x0, v26;
	vm0 =	vgt.s32 v24, $0x0;
	[tilespmem:v30+s20+$0x0] =	vst.idx.add.f32.msk $0xffff, v8;
	v8 =	vmovc v28  }
0x126: {  	s31 =	sadd.s32 $0x400, s31;
	s2 =	sadd.s32 $0x80, s2;
	v27 =	vnsel vm3, $0x0, v27;
	v26 =	vnsel vm4, $0x0, v33;
	v19 =	vnsel vm5, $0x0, v19;
	[tilespmem:v17+s4+$0x0] =	vst.idx.add.f32.msk $0xffff, v2  }
0x127: {  	v20 =	vmin.u32 v20, $0x2BF  }
0x128: {  	v52 =	vmin.u32 v27, $0x2BF;
	v10 =	vadd.s32 v10, v20  }
0x129: {  	v53 =	vmin.u32 v26, $0x2BF;
	v11 =	vadd.s32 v11, v52;
	v10 =	vshll.u32 v10, $0x4  }
0x12a: {  	v54 =	vadd.s32 v12, v53;
	v11 =	vshll.u32 v11, $0x4;
	v10 =	vor.u32 v1, v10  }
0x12b: {  	[tilespmem:v17+s20+$0x0] =	vst.idx.add.f32.msk $0xffff, v4;
	v4 =	vshll.u32 v54, $0x4;
	v11 =	vor.u32 v1, v11  }
0x12c: {  	[tilespmem:v18+s4+$0x0] =	vst.idx.add.f32.msk $0xffff, v2;
	v55 =	vmin.u32 v19, $0x2BF;
	v4 =	vor.u32 v1, v4  }
0x12d: {  	[tilespmem:v18+s20+$0x0] =	vst.idx.add.f32.msk $0xffff, v3;
	v3 =	vadd.s32 v13, v55  }
0x12e: {  	v56 =	vnsel vm2, $0x0, v25;
	v3 =	vshll.u32 v3, $0x4  }
0x12f: {  	v57 =	vmin.u32 v56, $0x2BF;
	v3 =	vor.u32 v1, v3;
	[tilespmem:v10+s4+$0x0] =	vst.idx.add.f32.msk $0xffff, v2  }
0x130: {  	v58 =	vnsel vm1, $0x0, v23;
	v12 =	vadd.s32 v15, v57;
	[tilespmem:v11+s4+$0x0] =	vst.idx.add.f32.msk $0xffff, v2  }
0x131: {  	v61 =	vnsel vm0, $0x0, v24;
	v59 =	vmin.u32 v58, $0x2BF;
	v60 =	vshll.u32 v12, $0x4;
	[tilespmem:v4+s4+$0x0] =	vst.idx.add.f32.msk $0xffff, v2  }
0x132: {  	v62 =	vmin.u32 v61, $0x2BF;
	[tilespmem:v10+s20+$0x0] =	vst.idx.add.f32.msk $0xffff, v9;
	v9 =	vadd.s32 v14, v59;
	v10 =	vor.u32 v1, v60  }
0x133: {  	[tilespmem:v11+s20+$0x0] =	vst.idx.add.f32.msk $0xffff, v7;
	v7 =	vadd.s32 v16, v62;
	v9 =	vshll.u32 v9, $0x4  }
0x134: {  	[tilespmem:v3+s4+$0x0] =	vst.idx.add.f32.msk $0xffff, v2;
	v63 =	vshll.u32 v7, $0x4;
	v9 =	vor.u32 v1, v9  }
0x135: {  	[tilespmem:v4+s20+$0x0] =	vst.idx.add.f32.msk $0xffff, v5;
	v4 =	vor.u32 v1, v63  }
0x136: {  	[tilespmem:v3+s20+$0x0] =	vst.idx.add.f32.msk $0xffff, v6  }
0x137: {  	[tilespmem:v10+s4+$0x0] =	vst.idx.add.f32.msk $0xffff, v2  }
.Ltmp5:
0x138: {  	[tilespmem:v10+s20+$0x0] =	vst.idx.add.f32.msk $0xffff, v8;
	(pc) =	sbr.rel @p0 .LBB2_10-.Ltmp5, $4  }
0x139: {  	[tilespmem:v9+s4+$0x0] =	vst.idx.add.f32.msk $0xffff, v2  }
0x13a: {  	[tilespmem:v4+s4+$0x0] =	vst.idx.add.f32.msk $0xffff, v2  }
0x13b: {  	[tilespmem:v9+s20+$0x0] =	vst.idx.add.f32.msk $0xffff, v22  }
0x13c: {  	[tilespmem:v4+s20+$0x0] =	vst.idx.add.f32.msk $0xffff, v21  }
0x13d: {  	s0 =	sadd.s32 s28, s10  }
0x13e: {  	s0 =	sshll.u32 s0, $0x9  }
.Ltmp6:
0x13f: {  	s0 =	sand.u32 $0xFFFF800, s0;
	(pc) =	sbr.rel .LBB2_4-.Ltmp6, $4  }
0x140: {  	s2 =	sadd.s32 s1, s0  }
0x141: {  	[tilespmem:s16], [sflag:$0x2] =	stream.linear.gather [hbm4b:s2+s4], $0x4000, $0x38;
	[tilespmem:$0x1B000] =	vst v63  }
0x142: {  	s26 =	sadd.s32 $0x1, s26;
	s0 =	sadd.s32 s3, s0  }
0x143: {  	[tilespmem:s17], [sflag:$0x4] =	stream.linear.gather [hbm4b:s0+s4], $0x4000, $0x38;
	[tilespmem:$0x1B000] =	vst v63  }
.LBB2_11:
0x144: {  	_ =	sfence.sel $0x180000  }
0x145: {  	[bflag:$0x0] =	sbarrier.arrive $0xFFFF  }
0x146: {  	_ =	strace $0x90000047  }
0x147: {  	s0 =	stileid.u32;
	[bflag:$0x2] =	sbarrier.arrive $0xFFFF  }
0x148: {  	p0 =	sne.s32 s0, $0x0;
	s0 =	rddreg [dreg:$0x3]  }
0x149: {  	s0 =	sadd.s32 @!p0 $0x100000, s0  }
0x14a: {  	[sflag:s0] =	ssyncadd.tile.s32 @!p0 $0x1;
	_ =	shalt  }
.Lfunc_end2:
_tile_overlayer_lowered:
.L_overlay_start_2:
0x14b: {  	(tag) =	ssettag $0x2  }
0x14c: {  	s0 =	rddreg [dreg:$0x0];
	s2 =	stileid.u32  }
0x14d: {  	s1 =	rddreg [dreg:$0x1];
	p0 =	sne.s32 s2, $0x0  }
0x14e: {  	s3 =	rddreg [dreg:$0x2];
	[bflag:$0x3] =	sbarrier.arrive $0xFFFF;
	s2 =	simm.s32 @!p0 $0x1C05  }
0x14f: {  	[timem:s3], [sflag:s2] =	dma.local @!p0 [hbm:s0], s1  }
0x150: {  	s0 =	simm.s32 @!p0 $0x5  }
0x151: {  	_ =	swait.ge @!p0 [sflag:s0], s1  }
0x152: {  	s1 =	ssub.s32 @!p0 $0x0, s1;
	[sflag:s0] =	ssyncset.done @!p0 $0x0  }
0x153: {  	[sflag:s0] =	ssyncadd.s32 @!p0 s1  }
0x154: {  	[bflag:$0x3] =	sbarrier.arrive $0xFFFF  }
0x155: {  	_ =	shalt  }

</sc_bundles>
